<compile_context>
chip_gen: v7x
topology: tpu7x:2x2x1
jax: 0.10.2.dev20260603
libtpu: 0.0.44.dev20260713+nightly
codegen_flags: <defaults>
</compile_context>

<pallas_src>
import functools
import jax
import jax.numpy as jnp
from jax import lax
from jax.experimental import pallas as pl
from jax.experimental.pallas import tpu as pltpu
from jax.experimental.pallas import tpu_sc as plsc

N_ATOMS = 10000
DIM = 128
N_BASIS = 8
R_CUT = 5.0
NORM_FACTOR = 16.0

NC = 2
NS = 16
CHUNK = 128


def _gather_sc(node_info, idx_j2d, e_pad):
    per_tile = e_pad // (NC * NS)
    n_chunk = per_tile // CHUNK
    n_pair = n_chunk // 2
    mesh = plsc.VectorSubcoreMesh(core_axis_name="c", subcore_axis_name="s")

    @functools.partial(
        pl.kernel,
        out_type=jax.ShapeDtypeStruct((e_pad, DIM), jnp.float32),
        mesh=mesh,
        scratch_types=[
            pltpu.VMEM((n_chunk, CHUNK), jnp.int32),
            pltpu.VMEM((CHUNK, DIM), jnp.float32),
            pltpu.VMEM((CHUNK, DIM), jnp.float32),
            pltpu.VMEM_SHARED((N_ATOMS, DIM), jnp.float32),
            pltpu.SemaphoreType.DMA,
            pltpu.SemaphoreType.DMA,
        ],
    )
    def gather_k(table_hbm, idx_hbm, out_hbm, idx2d, buf0, buf1, table_sp,
                 sem0, sem1):
        sid = lax.axis_index("s")
        wid = sid * NC + lax.axis_index("c")
        base = wid * per_tile
        cbase = wid * n_chunk
        rows_a = (N_ATOMS // (NS * 8)) * 8
        tail = N_ATOMS - rows_a * NS
        pltpu.sync_copy(table_hbm.at[pl.ds(sid * rows_a, rows_a)],
                        table_sp.at[pl.ds(sid * rows_a, rows_a)])

        @pl.when(sid == 0)
        def _():
            pltpu.sync_copy(table_hbm.at[pl.ds(rows_a * NS, tail)],
                            table_sp.at[pl.ds(rows_a * NS, tail)])

        pltpu.sync_copy(idx_hbm.at[pl.ds(cbase, n_chunk)], idx2d)
        plsc.subcore_barrier()
        pltpu.async_copy(table_sp.at[idx2d.at[0]], buf0, sem0)

        def body(g, _):
            i0 = 2 * g
            pltpu.async_copy(table_sp.at[idx2d.at[i0 + 1]], buf1, sem1)
            pltpu.make_async_copy(table_sp.at[idx2d.at[i0]], buf0, sem0).wait()
            pltpu.sync_copy(buf0, out_hbm.at[pl.ds(base + i0 * CHUNK, CHUNK)])

            @pl.when(g < n_pair - 1)
            def _():
                pltpu.async_copy(table_sp.at[idx2d.at[i0 + 2]], buf0, sem0)

            pltpu.make_async_copy(table_sp.at[idx2d.at[i0 + 1]], buf1,
                                  sem1).wait()
            pltpu.sync_copy(buf1,
                            out_hbm.at[pl.ds(base + (i0 + 1) * CHUNK, CHUNK)])
            return 0

        lax.fori_loop(0, n_pair, body, 0)

    return gather_k(node_info, idx_j2d)


def _edge_tc(rijT, xj, Wr1, br1, Wr2, br2, lo, e_half):
    BE = 4096
    grid = e_half // BE
    blo = lo // BE
    TLHS = (((0,), (0,)), ((), ()))

    def body(rijt_ref, xj_ref, wr1t_ref, br1_ref, wr2_ref, br2_ref, out_ref):
        r = rijt_ref[...]
        x, y, z = r[0:1], r[1:2], r[2:3]
        d = jnp.sqrt(x * x + y * y + z * z)
        ic = 1.0 / (d + 1e-9)
        cut = 0.5 * (jnp.cos(jnp.pi * jnp.clip(d, 0.0, R_CUT) / R_CUT) + 1.0)
        centers = lax.broadcasted_iota(jnp.int32, (N_BASIS, 1), 0).astype(
            jnp.float32) * (R_CUT / (N_BASIS - 1))
        rbf = jnp.exp(-((d - centers) ** 2) / 0.5)
        h = jnp.dot(wr1t_ref[...], rbf, preferred_element_type=jnp.float32)
        h = h + br1_ref[...]
        h = h * jax.nn.sigmoid(h)
        filt = lax.dot_general(h, wr2_ref[...], TLHS,
                               preferred_element_type=jnp.float32)
        filt = filt + br2_ref[...]
        cb = jnp.concatenate(
            [cut, x * ic * cut, y * ic * cut, z * ic * cut,
             jnp.zeros((4, BE), jnp.float32)], axis=0)
        cols = jnp.transpose(cb)
        xj = xj_ref[...]
        m0 = filt[:, :DIM] * xj
        w1 = filt[:, DIM:] * xj
        out_ref[0] = m0 * cols[:, 0:1]
        out_ref[1] = w1 * cols[:, 1:2]
        out_ref[2] = w1 * cols[:, 2:3]
        out_ref[3] = w1 * cols[:, 3:4]

    return pl.pallas_call(
        body,
        grid=(grid,),
        in_specs=[
            pl.BlockSpec((3, BE), lambda i: (0, i + blo)),
            pl.BlockSpec((BE, DIM), lambda i: (i + blo, 0)),
            pl.BlockSpec((64, N_BASIS), lambda i: (0, 0)),
            pl.BlockSpec((64, 1), lambda i: (0, 0)),
            pl.BlockSpec((64, 2 * DIM), lambda i: (0, 0)),
            pl.BlockSpec((1, 2 * DIM), lambda i: (0, 0)),
        ],
        out_specs=pl.BlockSpec((4, BE, DIM), lambda i: (0, i, 0)),
        out_shape=jax.ShapeDtypeStruct((4, e_half, DIM), jnp.float32),
    )(rijT, xj, Wr1.T, br1.reshape(64, 1), Wr2, br2.reshape(1, 2 * DIM))


def _scatter_sc(planes, idx_i, zeros, e_pad, n_pad):
    per_tile = e_pad // NS
    n_chunk = per_tile // CHUNK
    rows_per_tile = n_pad // NS
    mesh = plsc.VectorSubcoreMesh(core_axis_name="c", subcore_axis_name="s")

    @functools.partial(
        pl.kernel,
        out_type=jax.ShapeDtypeStruct((4, n_pad, DIM), jnp.float32),
        mesh=mesh,
        scratch_types=[
            pltpu.VMEM((n_chunk, CHUNK), jnp.int32),
            pltpu.VMEM((CHUNK, DIM), jnp.float32),
            pltpu.VMEM((CHUNK, DIM), jnp.float32),
            pltpu.VMEM_SHARED((n_pad, DIM), jnp.float32),
            pltpu.SemaphoreType.DMA,
            pltpu.SemaphoreType.DMA,
        ],
    )
    def scatter_k(planes_hbm, idx_hbm, zeros_hbm, out_hbm, idx2d, buf0, buf1,
                  acc, sem0, sem1):
        cid = lax.axis_index("c")
        sid = lax.axis_index("s")
        nbase = sid * rows_per_tile
        ebase = sid * per_tile
        n_pair = n_chunk // 2

        pltpu.sync_copy(idx_hbm.at[pl.ds(sid * n_chunk, n_chunk)], idx2d)

        def do_plane(p):
            pltpu.sync_copy(zeros_hbm.at[pl.ds(nbase, rows_per_tile)],
                            acc.at[pl.ds(nbase, rows_per_tile)])
            plsc.subcore_barrier()
            plane = planes_hbm.at[p]
            pltpu.async_copy(plane.at[pl.ds(ebase, CHUNK)], buf0, sem0)

            def body(q, _):
                o0 = ebase + 2 * q * CHUNK
                pltpu.async_copy(plane.at[pl.ds(o0 + CHUNK, CHUNK)], buf1,
                                 sem1)
                pltpu.make_async_copy(plane.at[pl.ds(o0, CHUNK)], buf0,
                                      sem0).wait()
                pltpu.sync_copy(buf0, acc.at[idx2d.at[2 * q]], add=True)

                @pl.when(q < n_pair - 1)
                def _():
                    pltpu.async_copy(plane.at[pl.ds(o0 + 2 * CHUNK, CHUNK)],
                                     buf0, sem0)

                pltpu.make_async_copy(plane.at[pl.ds(o0 + CHUNK, CHUNK)],
                                      buf1, sem1).wait()
                pltpu.sync_copy(buf1, acc.at[idx2d.at[2 * q + 1]], add=True)
                return 0

            lax.fori_loop(0, n_pair, body, 0)
            plsc.subcore_barrier()
            pltpu.sync_copy(acc.at[pl.ds(nbase, rows_per_tile)],
                            out_hbm.at[p].at[pl.ds(nbase, rows_per_tile)])
            plsc.subcore_barrier()

        for r in range(2):
            for c in range(NC):
                @pl.when(cid == c)
                def _():
                    do_plane(2 * c + r)

    return scatter_k(planes, idx_i, zeros)


def _node_tc(aggs, node_info, W0, b0, W1, gw, gb):
    BN = 2000
    grid = N_ATOMS // BN
    inv = 1.0 / NORM_FACTOR

    def body(agg_ref, node_ref, w0_ref, b0_ref, w1_ref, gw_ref,
             gb_ref, out0_ref, out1_ref):
        a0 = agg_ref[0] * inv
        s0 = jnp.dot(a0, w0_ref[...], preferred_element_type=jnp.float32)
        s0 = s0 + b0_ref[...]
        out0_ref[...] = node_ref[...] + s0 * jax.nn.sigmoid(s0)
        w1 = w1_ref[...]
        s1x = jnp.dot(agg_ref[1] * inv, w1, preferred_element_type=jnp.float32)
        s1y = jnp.dot(agg_ref[2] * inv, w1, preferred_element_type=jnp.float32)
        s1z = jnp.dot(agg_ref[3] * inv, w1, preferred_element_type=jnp.float32)
        norm = jnp.sqrt(s1x * s1x + s1y * s1y + s1z * s1z + 1e-9)
        gate = jax.nn.sigmoid(norm * gw_ref[...] + gb_ref[...])
        out1_ref[0] = s1x * gate
        out1_ref[1] = s1y * gate
        out1_ref[2] = s1z * gate

    return pl.pallas_call(
        body,
        grid=(grid,),
        in_specs=[
            pl.BlockSpec((4, BN, DIM), lambda i: (0, i, 0)),
            pl.BlockSpec((BN, DIM), lambda i: (i, 0)),
            pl.BlockSpec((DIM, DIM), lambda i: (0, 0)),
            pl.BlockSpec((1, DIM), lambda i: (0, 0)),
            pl.BlockSpec((DIM, DIM), lambda i: (0, 0)),
            pl.BlockSpec((1, DIM), lambda i: (0, 0)),
            pl.BlockSpec((1, DIM), lambda i: (0, 0)),
        ],
        out_specs=[
            pl.BlockSpec((BN, DIM), lambda i: (i, 0)),
            pl.BlockSpec((3, BN, DIM), lambda i: (0, i, 0)),
        ],
        out_shape=[
            jax.ShapeDtypeStruct((N_ATOMS, DIM), jnp.float32),
            jax.ShapeDtypeStruct((3, N_ATOMS, DIM), jnp.float32),
        ],
    )(aggs, node_info, W0, b0.reshape(1, DIM), W1,
      gw.reshape(1, DIM), gb.reshape(1, DIM))


def kernel(node_info_way0, rij, Wr1, br1, Wr2, br2, W0, b0, W1, gw, gb,
           idx_i, idx_j, atomic_number):
    n_edges = rij.shape[0]
    unit_e = NC * NS * CHUNK
    e_pad = ((n_edges + unit_e - 1) // unit_e) * unit_e
    pad = e_pad - n_edges
    rij_p = jnp.concatenate(
        [rij, jnp.broadcast_to(jnp.array([2 * R_CUT, 0.0, 0.0], rij.dtype),
                               (pad, 3))], axis=0)
    idx_i_p = jnp.concatenate([idx_i, jnp.zeros((pad,), jnp.int32)])
    idx_j_p = jnp.concatenate([idx_j, jnp.zeros((pad,), jnp.int32)])
    idx_i2d = idx_i_p.reshape(e_pad // CHUNK, CHUNK)
    idx_j2d = idx_j_p.reshape(e_pad // CHUNK, CHUNK)

    xj = _gather_sc(node_info_way0, idx_j2d, e_pad)
    n_pad = ((N_ATOMS + NS * 8 - 1) // (NS * 8)) * (NS * 8)
    zeros = jnp.zeros((n_pad, DIM), jnp.float32)
    planes = _edge_tc(rij_p.T, xj, Wr1, br1, Wr2, br2, 0, e_pad)
    aggs = _scatter_sc(planes, idx_i2d, zeros, e_pad, n_pad)
    out0, o1 = _node_tc(aggs, node_info_way0, W0, b0, W1, gw, gb)
    out1 = jnp.moveaxis(o1, 0, -1)
    return (out0, out1)

# --- scband reference (transcript-rebuilt; emitter-appended) ---
"""Pipeline reference for scband-update-node-block-6734508720700 (READ-ONLY COPY).

The authoritative reference and input builder live on the scoring server;
editing this copy changes nothing except your own understanding.
"""

import jax, jax.numpy as jnp
import numpy as np

N_ATOMS = 10000
N_EDGES = 160000
DIM = 128
N_BASIS = 8
R_CUT = 5.0
NORM_FACTOR = 16.0


def setup_inputs(seed: int = 0) -> dict:
    key = jax.random.key(seed)
    ks = jax.random.split(key, 16)
    node_info_way0 = jax.random.normal(ks[0], (N_ATOMS, DIM), dtype=jnp.float32)
    rij = jax.random.normal(ks[1], (N_EDGES, 3), dtype=jnp.float32) * 1.5
    idx_i = jax.random.randint(ks[2], (N_EDGES,), 0, N_ATOMS, dtype=jnp.int32)
    idx_j = jax.random.randint(ks[3], (N_EDGES,), 0, N_ATOMS, dtype=jnp.int32)
    atomic_number = jax.random.randint(ks[4], (N_ATOMS,), 1, 100, dtype=jnp.int32)
    # RadialLayer params: rbf(8) -> 64 -> 2*DIM (one filter set per (in_way=0, r_way) path)
    Wr1 = jax.random.normal(ks[5], (N_BASIS, 64), dtype=jnp.float32) * 0.3
    br1 = jnp.zeros((64,), dtype=jnp.float32)
    Wr2 = jax.random.normal(ks[6], (64, 2 * DIM), dtype=jnp.float32) * 0.1
    br2 = jnp.zeros((2 * DIM,), dtype=jnp.float32)
    # SelfInteractionLayer params (per-way channel mixing; bias only for way 0)
    W0 = jax.random.normal(ks[7], (DIM, DIM), dtype=jnp.float32) / np.sqrt(DIM)
    b0 = jnp.zeros((DIM,), dtype=jnp.float32)
    W1 = jax.random.normal(ks[8], (DIM, DIM), dtype=jnp.float32) / np.sqrt(DIM)
    # NonLinearLayer gate params for way 1
    gw = jnp.ones((DIM,), dtype=jnp.float32)
    gb = jnp.zeros((DIM,), dtype=jnp.float32)
    return {
        "node_info_way0": node_info_way0, "rij": rij,
        "Wr1": Wr1, "br1": br1, "Wr2": Wr2, "br2": br2,
        "W0": W0, "b0": b0, "W1": W1, "gw": gw, "gb": gb,
        "idx_i": idx_i, "idx_j": idx_j, "atomic_number": atomic_number,
    }


def reference(node_info_way0, rij, Wr1, br1, Wr2, br2, W0, b0, W1, gw, gb, idx_i, idx_j, atomic_number):
    # ---- RadialLayer: gaussian RBF + MLP + smooth cutoff ----
    d = jnp.linalg.norm(rij, axis=-1, keepdims=True)  # [E,1]
    unit = rij / (d + 1e-9)                           # [E,3]
    centers = jnp.linspace(0.0, R_CUT, N_BASIS)
    rbf = jnp.exp(-((d - centers) ** 2) / 0.5)        # [E,N_BASIS]
    cut = 0.5 * (jnp.cos(jnp.pi * jnp.clip(d, 0.0, R_CUT) / R_CUT) + 1.0)  # [E,1]
    h = jax.nn.silu(rbf @ Wr1 + br1)
    filt = (h @ Wr2 + br2) * cut                      # [E,2*DIM]
    f0 = filt[:, :DIM]
    f1 = filt[:, DIM:]
    # ---- GraphConvLayer (conv_mode='node_j'): gather neighbor features ----
    xj = jnp.take(node_info_way0, idx_j, axis=0)      # [E,DIM] gather
    m0 = f0 * xj                                      # way 0 message [E,DIM]
    m1 = (f1 * xj)[:, :, None] * unit[:, None, :]     # way 1 message [E,DIM,3]
    # ---- scatter-add (_scatter_add over idx_i) / norm_factor ----
    n_atoms = atomic_number.shape[0]
    agg0 = jax.ops.segment_sum(m0, idx_i, num_segments=n_atoms) / NORM_FACTOR
    agg1 = jax.ops.segment_sum(m1, idx_i, num_segments=n_atoms) / NORM_FACTOR
    # ---- SelfInteractionLayer ----
    s0 = agg0 @ W0 + b0
    s1 = jnp.einsum('ncx,cd->ndx', agg1, W1)
    # ---- NonLinearLayer (silu on scalars, norm-gate on way-1) ----
    o0 = jax.nn.silu(s0)
    norm1 = jnp.sqrt(jnp.sum(s1 ** 2, axis=-1) + 1e-9)  # [N,DIM]
    gate = jax.nn.sigmoid(norm1 * gw + gb)
    o1 = s1 * gate[:, :, None]
    # ---- res_add: residual on existing ways, new ways passed through ----
    out0 = node_info_way0 + o0
    out1 = o1
    return (out0, out1)

if __name__ == "__main__":
    import jax
    _d = setup_inputs()
    print(jax.jit(kernel)(*tuple(_d.values())))

</pallas_src>

<mosaic_0001>
#map = affine_map<(d0, d1) -> (0, 0)>
module attributes {stable_mosaic.version = 14 : i64} {
  func.func @gather_k(%arg0: i32, %arg1: i32, %arg2: memref<10000x128xf32, #tpu.memory_space<hbm>>, %arg3: memref<1280x128xi32, #tpu.memory_space<hbm>>, %arg4: memref<163840x128xf32, #tpu.memory_space<hbm>>, %arg5: memref<40x128xi32, #tpu.memory_space<vmem>>, %arg6: memref<128x128xf32, #tpu.memory_space<vmem>>, %arg7: memref<128x128xf32, #tpu.memory_space<vmem>>, %arg8: memref<10000x128xf32, #tpu.memory_space<vmem_shared>>, %arg9: memref<!tpu.dma_semaphore, #tpu.memory_space<semaphore_mem>>, %arg10: memref<!tpu.dma_semaphore, #tpu.memory_space<semaphore_mem>>) attributes {dimension_semantics = [#tpu.dimension_semantics<core_parallel>, #tpu.dimension_semantics<subcore_parallel>], iteration_bounds = array<i64: 2, 16>, scalar_prefetch = 0 : i64, scratch_operands = 6 : i64, tpu.core_type = #tpu.core_type<sc_vector_subcore>, window_params = [{transform_indices = #map}, {transform_indices = #map}, {transform_indices = #map}]} {
    %mul3A = arith.constant 2 : i32
    %mul3A_0 = arith.muli %arg1, %mul3A : i32
    %add3A = arith.addi %mul3A_0, %arg0 : i32
    %mul3A_1 = arith.constant 5120 : i32
    %mul3A_2 = arith.muli %add3A, %mul3A_1 : i32
    %mul3A_3 = arith.constant 40 : i32
    %mul3A_4 = arith.muli %add3A, %mul3A_3 : i32
    %mul3A_5 = arith.constant 624 : i32
    %mul3A_6 = arith.muli %arg1, %mul3A_5 : i32
    %mul3A_7 = arith.constant 624 : i32
    %mul3A_8 = arith.muli %arg1, %mul3A_7 : i32
    "tpu.region"() ({
      %run_scoped3A = tpu.sem_alloc : memref<!tpu.dma_semaphore, #tpu.memory_space<semaphore_mem>>
      %dma_start3A_23 = arith.constant 0 : i32
      %dma_start3A_24 = tpu.memref_slice %arg8[%mul3A_8, %dma_start3A_23] : memref<10000x128xf32, #tpu.memory_space<vmem_shared>> -> memref<624x128xf32, #tpu.memory_space<vmem_shared>>
      %dma_start3A_25 = arith.constant 0 : i32
      %dma_start3A_26 = tpu.memref_slice %arg2[%mul3A_6, %dma_start3A_25] : memref<10000x128xf32, #tpu.memory_space<hbm>> -> memref<624x128xf32, #tpu.memory_space<hbm>>
      tpu.enqueue_dma source(%dma_start3A_26 : memref<624x128xf32, #tpu.memory_space<hbm>>) target(%dma_start3A_24 : memref<624x128xf32, #tpu.memory_space<vmem_shared>>) target_semaphore(%run_scoped3A : memref<!tpu.dma_semaphore, #tpu.memory_space<semaphore_mem>>)
      %dma_wait3A = arith.constant 0 : i32
      %dma_wait3A_27 = tpu.memref_slice %arg8[%mul3A_8, %dma_wait3A] : memref<10000x128xf32, #tpu.memory_space<vmem_shared>> -> memref<624x128xf32, #tpu.memory_space<vmem_shared>>
      %dma_wait3A_28 = arith.constant 0 : i32
      %dma_wait3A_29 = tpu.memref_slice %arg2[%mul3A_6, %dma_wait3A_28] : memref<10000x128xf32, #tpu.memory_space<hbm>> -> memref<624x128xf32, #tpu.memory_space<hbm>>
      tpu.wait_dma2 semaphore(%run_scoped3A : memref<!tpu.dma_semaphore, #tpu.memory_space<semaphore_mem>>) src(%dma_wait3A_29 : memref<624x128xf32, #tpu.memory_space<hbm>>) dst(%dma_wait3A_27 : memref<624x128xf32, #tpu.memory_space<vmem_shared>>)
      tpu.yield
    }) : () -> ()
    %eq3A = arith.constant 0 : i32
    %eq3A_9 = arith.cmpi eq, %arg1, %eq3A : i32
    %convert_element_type3A = arith.extui %eq3A_9 : i1 to i32
    %cond3A = arith.constant 0 : i32
    %cond3A_10 = arith.cmpi ne, %convert_element_type3A, %cond3A : i32
    scf.if %cond3A_10 {
      "tpu.region"() ({
        %run_scoped3A = tpu.sem_alloc : memref<!tpu.dma_semaphore, #tpu.memory_space<semaphore_mem>>
        %dma_start3A_23 = arith.constant 9984 : i32
        %dma_start3A_24 = arith.constant 0 : i32
        %dma_start3A_25 = tpu.memref_slice %arg8[%dma_start3A_23, %dma_start3A_24] : memref<10000x128xf32, #tpu.memory_space<vmem_shared>> -> memref<16x128xf32, #tpu.memory_space<vmem_shared>>
        %dma_start3A_26 = arith.constant 9984 : i32
        %dma_start3A_27 = arith.constant 0 : i32
        %dma_start3A_28 = tpu.memref_slice %arg2[%dma_start3A_26, %dma_start3A_27] : memref<10000x128xf32, #tpu.memory_space<hbm>> -> memref<16x128xf32, #tpu.memory_space<hbm>>
        tpu.enqueue_dma source(%dma_start3A_28 : memref<16x128xf32, #tpu.memory_space<hbm>>) target(%dma_start3A_25 : memref<16x128xf32, #tpu.memory_space<vmem_shared>>) target_semaphore(%run_scoped3A : memref<!tpu.dma_semaphore, #tpu.memory_space<semaphore_mem>>)
        %dma_wait3A = arith.constant 9984 : i32
        %dma_wait3A_29 = arith.constant 0 : i32
        %dma_wait3A_30 = tpu.memref_slice %arg8[%dma_wait3A, %dma_wait3A_29] : memref<10000x128xf32, #tpu.memory_space<vmem_shared>> -> memref<16x128xf32, #tpu.memory_space<vmem_shared>>
        %dma_wait3A_31 = arith.constant 9984 : i32
        %dma_wait3A_32 = arith.constant 0 : i32
        %dma_wait3A_33 = tpu.memref_slice %arg2[%dma_wait3A_31, %dma_wait3A_32] : memref<10000x128xf32, #tpu.memory_space<hbm>> -> memref<16x128xf32, #tpu.memory_space<hbm>>
        tpu.wait_dma2 semaphore(%run_scoped3A : memref<!tpu.dma_semaphore, #tpu.memory_space<semaphore_mem>>) src(%dma_wait3A_33 : memref<16x128xf32, #tpu.memory_space<hbm>>) dst(%dma_wait3A_30 : memref<16x128xf32, #tpu.memory_space<vmem_shared>>)
        tpu.yield
      }) : () -> ()
    } else {
    }
    "tpu.region"() ({
      %run_scoped3A = tpu.sem_alloc : memref<!tpu.dma_semaphore, #tpu.memory_space<semaphore_mem>>
      %dma_start3A_23 = arith.constant 0 : i32
      %dma_start3A_24 = tpu.memref_slice %arg3[%mul3A_4, %dma_start3A_23] : memref<1280x128xi32, #tpu.memory_space<hbm>> -> memref<40x128xi32, #tpu.memory_space<hbm>>
      %dma_start3A_25 = arith.constant 0 : i32
      %dma_start3A_26 = tpu.memref_slice %arg3[%mul3A_4, %dma_start3A_25] : memref<1280x128xi32, #tpu.memory_space<hbm>> -> memref<40x128xi32, #tpu.memory_space<hbm>>
      tpu.enqueue_dma source(%dma_start3A_26 : memref<40x128xi32, #tpu.memory_space<hbm>>) target(%arg5 : memref<40x128xi32, #tpu.memory_space<vmem>>) target_semaphore(%run_scoped3A : memref<!tpu.dma_semaphore, #tpu.memory_space<semaphore_mem>>)
      %dma_wait3A = arith.constant 0 : i32
      %dma_wait3A_27 = tpu.memref_slice %arg3[%mul3A_4, %dma_wait3A] : memref<1280x128xi32, #tpu.memory_space<hbm>> -> memref<40x128xi32, #tpu.memory_space<hbm>>
      %dma_wait3A_28 = arith.constant 0 : i32
      %dma_wait3A_29 = tpu.memref_slice %arg3[%mul3A_4, %dma_wait3A_28] : memref<1280x128xi32, #tpu.memory_space<hbm>> -> memref<40x128xi32, #tpu.memory_space<hbm>>
      tpu.wait_dma2 semaphore(%run_scoped3A : memref<!tpu.dma_semaphore, #tpu.memory_space<semaphore_mem>>) src(%dma_wait3A_29 : memref<40x128xi32, #tpu.memory_space<hbm>>) dst(%arg5 : memref<40x128xi32, #tpu.memory_space<vmem>>)
      tpu.yield
    }) : () -> ()
    %barrier3A = arith.constant 0 : index
    tpu.barrier barrier_id(%barrier3A)
    %dma_start3A = arith.constant 0 : i32
    %dma_start3A_11 = arith.constant 0 : i32
    %dma_start3A_12 = tpu.memref_slice %arg5[%dma_start3A, %dma_start3A_11] : memref<40x128xi32, #tpu.memory_space<vmem>> -> memref<1x128xi32, #tpu.memory_space<vmem>>
    %dma_start3A_13 = tpu.memref_squeeze %dma_start3A_12 : memref<1x128xi32, #tpu.memory_space<vmem>> -> memref<128xi32, #tpu.memory_space<vmem>>
    %dma_start3A_14 = arith.constant 0 : i32
    %dma_start3A_15 = arith.constant 0 : i32
    %dma_start3A_16 = tpu.memref_slice %arg8[%dma_start3A_14, %dma_start3A_15] : memref<10000x128xf32, #tpu.memory_space<vmem_shared>> -> memref<10000x128xf32, #tpu.memory_space<vmem_shared>>
    tpu.enqueue_indirect_dma source(%dma_start3A_16 : memref<10000x128xf32, #tpu.memory_space<vmem_shared>>) target(%arg6 : memref<128x128xf32, #tpu.memory_space<vmem>>) offsets(%dma_start3A_13 : memref<128xi32, #tpu.memory_space<vmem>>) semaphore(%arg9 : memref<!tpu.dma_semaphore, #tpu.memory_space<semaphore_mem>>)
    %scan3A = arith.constant 0 : i32
    %scan3A_17 = arith.constant 0 : i32
    %scan3A_18 = arith.constant 20 : i32
    %scan3A_19 = arith.addi %scan3A_17, %scan3A_18 : i32
    %scan3A_20 = arith.constant 1 : i32
    %scan3A_21 = scf.for %scan3A_23 = %scan3A_17 to %scan3A_19 step %scan3A_20 iter_args(%scan3A_24 = %scan3A) -> (i32)  : i32 {
      %mul3A_25 = arith.constant 2 : i32
      %mul3A_26 = arith.muli %mul3A_25, %scan3A_23 : i32
      %add3A_27 = arith.constant 1 : i32
      %add3A_28 = arith.addi %mul3A_26, %add3A_27 : i32
      %dma_start3A_29 = arith.constant 0 : i32
      %dma_start3A_30 = tpu.memref_slice %arg5[%add3A_28, %dma_start3A_29] : memref<40x128xi32, #tpu.memory_space<vmem>> -> memref<1x128xi32, #tpu.memory_space<vmem>>
      %dma_start3A_31 = tpu.memref_squeeze %dma_start3A_30 : memref<1x128xi32, #tpu.memory_space<vmem>> -> memref<128xi32, #tpu.memory_space<vmem>>
      %dma_start3A_32 = arith.constant 0 : i32
      %dma_start3A_33 = arith.constant 0 : i32
      %dma_start3A_34 = tpu.memref_slice %arg8[%dma_start3A_32, %dma_start3A_33] : memref<10000x128xf32, #tpu.memory_space<vmem_shared>> -> memref<10000x128xf32, #tpu.memory_space<vmem_shared>>
      tpu.enqueue_indirect_dma source(%dma_start3A_34 : memref<10000x128xf32, #tpu.memory_space<vmem_shared>>) target(%arg7 : memref<128x128xf32, #tpu.memory_space<vmem>>) offsets(%dma_start3A_31 : memref<128xi32, #tpu.memory_space<vmem>>) semaphore(%arg10 : memref<!tpu.dma_semaphore, #tpu.memory_space<semaphore_mem>>)
      %dma_wait3A = arith.constant 0 : i32
      %dma_wait3A_35 = tpu.memref_slice %arg5[%mul3A_26, %dma_wait3A] : memref<40x128xi32, #tpu.memory_space<vmem>> -> memref<1x128xi32, #tpu.memory_space<vmem>>
      %dma_wait3A_36 = tpu.memref_squeeze %dma_wait3A_35 : memref<1x128xi32, #tpu.memory_space<vmem>> -> memref<128xi32, #tpu.memory_space<vmem>>
      %dma_wait3A_37 = arith.constant 0 : i32
      %dma_wait3A_38 = arith.constant 0 : i32
      %dma_wait3A_39 = tpu.memref_slice %arg8[%dma_wait3A_37, %dma_wait3A_38] : memref<10000x128xf32, #tpu.memory_space<vmem_shared>> -> memref<10000x128xf32, #tpu.memory_space<vmem_shared>>
      tpu.wait_indirect_dma semaphore(%arg9 : memref<!tpu.dma_semaphore, #tpu.memory_space<semaphore_mem>>) src(%dma_wait3A_39 : memref<10000x128xf32, #tpu.memory_space<vmem_shared>>) dst(%arg6 : memref<128x128xf32, #tpu.memory_space<vmem>>)
      %mul3A_40 = arith.constant 128 : i32
      %mul3A_41 = arith.muli %mul3A_26, %mul3A_40 : i32
      %add3A_42 = arith.addi %mul3A_2, %mul3A_41 : i32
      "tpu.region"() ({
        %run_scoped3A = tpu.sem_alloc : memref<!tpu.dma_semaphore, #tpu.memory_space<semaphore_mem>>
        %dma_start3A_61 = arith.constant 0 : i32
        %dma_start3A_62 = tpu.memref_slice %arg4[%add3A_42, %dma_start3A_61] : memref<163840x128xf32, #tpu.memory_space<hbm>> -> memref<128x128xf32, #tpu.memory_space<hbm>>
        %dma_start3A_63 = arith.constant 0 : i32
        %dma_start3A_64 = tpu.memref_slice %arg4[%add3A_42, %dma_start3A_63] : memref<163840x128xf32, #tpu.memory_space<hbm>> -> memref<128x128xf32, #tpu.memory_space<hbm>>
        tpu.enqueue_dma source(%arg6 : memref<128x128xf32, #tpu.memory_space<vmem>>) target(%dma_start3A_64 : memref<128x128xf32, #tpu.memory_space<hbm>>) target_semaphore(%run_scoped3A : memref<!tpu.dma_semaphore, #tpu.memory_space<semaphore_mem>>)
        %dma_wait3A_65 = arith.constant 0 : i32
        %dma_wait3A_66 = tpu.memref_slice %arg4[%add3A_42, %dma_wait3A_65] : memref<163840x128xf32, #tpu.memory_space<hbm>> -> memref<128x128xf32, #tpu.memory_space<hbm>>
        %dma_wait3A_67 = arith.constant 0 : i32
        %dma_wait3A_68 = tpu.memref_slice %arg4[%add3A_42, %dma_wait3A_67] : memref<163840x128xf32, #tpu.memory_space<hbm>> -> memref<128x128xf32, #tpu.memory_space<hbm>>
        tpu.wait_dma2 semaphore(%run_scoped3A : memref<!tpu.dma_semaphore, #tpu.memory_space<semaphore_mem>>) src(%arg6 : memref<128x128xf32, #tpu.memory_space<vmem>>) dst(%dma_wait3A_68 : memref<128x128xf32, #tpu.memory_space<hbm>>)
        tpu.yield
      }) : () -> ()
      %lt3A = arith.constant 19 : i32
      %lt3A_43 = arith.cmpi slt, %scan3A_23, %lt3A : i32
      %convert_element_type3A_44 = arith.extui %lt3A_43 : i1 to i32
      %cond3A_45 = arith.constant 0 : i32
      %cond3A_46 = arith.cmpi ne, %convert_element_type3A_44, %cond3A_45 : i32
      scf.if %cond3A_46 {
        %add3A_61 = arith.constant 2 : i32
        %add3A_62 = arith.addi %mul3A_26, %add3A_61 : i32
        %dma_start3A_63 = arith.constant 0 : i32
        %dma_start3A_64 = tpu.memref_slice %arg5[%add3A_62, %dma_start3A_63] : memref<40x128xi32, #tpu.memory_space<vmem>> -> memref<1x128xi32, #tpu.memory_space<vmem>>
        %dma_start3A_65 = tpu.memref_squeeze %dma_start3A_64 : memref<1x128xi32, #tpu.memory_space<vmem>> -> memref<128xi32, #tpu.memory_space<vmem>>
        %dma_start3A_66 = arith.constant 0 : i32
        %dma_start3A_67 = arith.constant 0 : i32
        %dma_start3A_68 = tpu.memref_slice %arg8[%dma_start3A_66, %dma_start3A_67] : memref<10000x128xf32, #tpu.memory_space<vmem_shared>> -> memref<10000x128xf32, #tpu.memory_space<vmem_shared>>
        tpu.enqueue_indirect_dma source(%dma_start3A_68 : memref<10000x128xf32, #tpu.memory_space<vmem_shared>>) target(%arg6 : memref<128x128xf32, #tpu.memory_space<vmem>>) offsets(%dma_start3A_65 : memref<128xi32, #tpu.memory_space<vmem>>) semaphore(%arg9 : memref<!tpu.dma_semaphore, #tpu.memory_space<semaphore_mem>>)
      } else {
      }
      %add3A_47 = arith.constant 1 : i32
      %add3A_48 = arith.addi %mul3A_26, %add3A_47 : i32
      %dma_wait3A_49 = arith.constant 0 : i32
      %dma_wait3A_50 = tpu.memref_slice %arg5[%add3A_48, %dma_wait3A_49] : memref<40x128xi32, #tpu.memory_space<vmem>> -> memref<1x128xi32, #tpu.memory_space<vmem>>
      %dma_wait3A_51 = tpu.memref_squeeze %dma_wait3A_50 : memref<1x128xi32, #tpu.memory_space<vmem>> -> memref<128xi32, #tpu.memory_space<vmem>>
      %dma_wait3A_52 = arith.constant 0 : i32
      %dma_wait3A_53 = arith.constant 0 : i32
      %dma_wait3A_54 = tpu.memref_slice %arg8[%dma_wait3A_52, %dma_wait3A_53] : memref<10000x128xf32, #tpu.memory_space<vmem_shared>> -> memref<10000x128xf32, #tpu.memory_space<vmem_shared>>
      tpu.wait_indirect_dma semaphore(%arg10 : memref<!tpu.dma_semaphore, #tpu.memory_space<semaphore_mem>>) src(%dma_wait3A_54 : memref<10000x128xf32, #tpu.memory_space<vmem_shared>>) dst(%arg7 : memref<128x128xf32, #tpu.memory_space<vmem>>)
      %add3A_55 = arith.constant 1 : i32
      %add3A_56 = arith.addi %mul3A_26, %add3A_55 : i32
      %mul3A_57 = arith.constant 128 : i32
      %mul3A_58 = arith.muli %add3A_56, %mul3A_57 : i32
      %add3A_59 = arith.addi %mul3A_2, %mul3A_58 : i32
      "tpu.region"() ({
        %run_scoped3A = tpu.sem_alloc : memref<!tpu.dma_semaphore, #tpu.memory_space<semaphore_mem>>
        %dma_start3A_61 = arith.constant 0 : i32
        %dma_start3A_62 = tpu.memref_slice %arg4[%add3A_59, %dma_start3A_61] : memref<163840x128xf32, #tpu.memory_space<hbm>> -> memref<128x128xf32, #tpu.memory_space<hbm>>
        %dma_start3A_63 = arith.constant 0 : i32
        %dma_start3A_64 = tpu.memref_slice %arg4[%add3A_59, %dma_start3A_63] : memref<163840x128xf32, #tpu.memory_space<hbm>> -> memref<128x128xf32, #tpu.memory_space<hbm>>
        tpu.enqueue_dma source(%arg7 : memref<128x128xf32, #tpu.memory_space<vmem>>) target(%dma_start3A_64 : memref<128x128xf32, #tpu.memory_space<hbm>>) target_semaphore(%run_scoped3A : memref<!tpu.dma_semaphore, #tpu.memory_space<semaphore_mem>>)
        %dma_wait3A_65 = arith.constant 0 : i32
        %dma_wait3A_66 = tpu.memref_slice %arg4[%add3A_59, %dma_wait3A_65] : memref<163840x128xf32, #tpu.memory_space<hbm>> -> memref<128x128xf32, #tpu.memory_space<hbm>>
        %dma_wait3A_67 = arith.constant 0 : i32
        %dma_wait3A_68 = tpu.memref_slice %arg4[%add3A_59, %dma_wait3A_67] : memref<163840x128xf32, #tpu.memory_space<hbm>> -> memref<128x128xf32, #tpu.memory_space<hbm>>
        tpu.wait_dma2 semaphore(%run_scoped3A : memref<!tpu.dma_semaphore, #tpu.memory_space<semaphore_mem>>) src(%arg7 : memref<128x128xf32, #tpu.memory_space<vmem>>) dst(%dma_wait3A_68 : memref<128x128xf32, #tpu.memory_space<hbm>>)
        tpu.yield
      }) : () -> ()
      %scan3A_60 = arith.constant 0 : i32
      scf.yield %scan3A_60 : i32
    }
    %scan3A_22 = arith.constant 20 : i32
    return
  }
}

#map = affine_map<(d0, d1) -> (0, 0, 0)>
#map1 = affine_map<(d0, d1) -> (0, 0)>
module attributes {stable_mosaic.version = 14 : i64} {
  func.func @scatter_k(%arg0: i32, %arg1: i32, %arg2: memref<4x163840x128xf32, #tpu.memory_space<hbm>>, %arg3: memref<1280x128xi32, #tpu.memory_space<hbm>>, %arg4: memref<10112x128xf32, #tpu.memory_space<hbm>>, %arg5: memref<4x10112x128xf32, #tpu.memory_space<hbm>>, %arg6: memref<80x128xi32, #tpu.memory_space<vmem>>, %arg7: memref<128x128xf32, #tpu.memory_space<vmem>>, %arg8: memref<128x128xf32, #tpu.memory_space<vmem>>, %arg9: memref<10112x128xf32, #tpu.memory_space<vmem_shared>>, %arg10: memref<!tpu.dma_semaphore, #tpu.memory_space<semaphore_mem>>, %arg11: memref<!tpu.dma_semaphore, #tpu.memory_space<semaphore_mem>>) attributes {dimension_semantics = [#tpu.dimension_semantics<core_parallel>, #tpu.dimension_semantics<subcore_parallel>], iteration_bounds = array<i64: 2, 16>, scalar_prefetch = 0 : i64, scratch_operands = 6 : i64, tpu.core_type = #tpu.core_type<sc_vector_subcore>, window_params = [{transform_indices = #map}, {transform_indices = #map1}, {transform_indices = #map1}, {transform_indices = #map}]} {
    %mul3A = arith.constant 632 : i32
    %mul3A_0 = arith.muli %arg1, %mul3A : i32
    %mul3A_1 = arith.constant 10240 : i32
    %mul3A_2 = arith.muli %arg1, %mul3A_1 : i32
    %mul3A_3 = arith.constant 80 : i32
    %mul3A_4 = arith.muli %arg1, %mul3A_3 : i32
    "tpu.region"() ({
      %run_scoped3A = tpu.sem_alloc : memref<!tpu.dma_semaphore, #tpu.memory_space<semaphore_mem>>
      %dma_start3A = arith.constant 0 : i32
      %dma_start3A_22 = tpu.memref_slice %arg3[%mul3A_4, %dma_start3A] : memref<1280x128xi32, #tpu.memory_space<hbm>> -> memref<80x128xi32, #tpu.memory_space<hbm>>
      %dma_start3A_23 = arith.constant 0 : i32
      %dma_start3A_24 = tpu.memref_slice %arg3[%mul3A_4, %dma_start3A_23] : memref<1280x128xi32, #tpu.memory_space<hbm>> -> memref<80x128xi32, #tpu.memory_space<hbm>>
      tpu.enqueue_dma source(%dma_start3A_24 : memref<80x128xi32, #tpu.memory_space<hbm>>) target(%arg6 : memref<80x128xi32, #tpu.memory_space<vmem>>) target_semaphore(%run_scoped3A : memref<!tpu.dma_semaphore, #tpu.memory_space<semaphore_mem>>)
      %dma_wait3A = arith.constant 0 : i32
      %dma_wait3A_25 = tpu.memref_slice %arg3[%mul3A_4, %dma_wait3A] : memref<1280x128xi32, #tpu.memory_space<hbm>> -> memref<80x128xi32, #tpu.memory_space<hbm>>
      %dma_wait3A_26 = arith.constant 0 : i32
      %dma_wait3A_27 = tpu.memref_slice %arg3[%mul3A_4, %dma_wait3A_26] : memref<1280x128xi32, #tpu.memory_space<hbm>> -> memref<80x128xi32, #tpu.memory_space<hbm>>
      tpu.wait_dma2 semaphore(%run_scoped3A : memref<!tpu.dma_semaphore, #tpu.memory_space<semaphore_mem>>) src(%dma_wait3A_27 : memref<80x128xi32, #tpu.memory_space<hbm>>) dst(%arg6 : memref<80x128xi32, #tpu.memory_space<vmem>>)
      tpu.yield
    }) : () -> ()
    %eq3A = arith.constant 0 : i32
    %eq3A_5 = arith.cmpi eq, %arg0, %eq3A : i32
    %convert_element_type3A = arith.extui %eq3A_5 : i1 to i32
    %cond3A = arith.constant 0 : i32
    %cond3A_6 = arith.cmpi ne, %convert_element_type3A, %cond3A : i32
    scf.if %cond3A_6 {
      "tpu.region"() ({
        %run_scoped3A_43 = tpu.sem_alloc : memref<!tpu.dma_semaphore, #tpu.memory_space<semaphore_mem>>
        %dma_start3A_44 = arith.constant 0 : i32
        %dma_start3A_45 = tpu.memref_slice %arg9[%mul3A_0, %dma_start3A_44] : memref<10112x128xf32, #tpu.memory_space<vmem_shared>> -> memref<632x128xf32, #tpu.memory_space<vmem_shared>>
        %dma_start3A_46 = arith.constant 0 : i32
        %dma_start3A_47 = tpu.memref_slice %arg4[%mul3A_0, %dma_start3A_46] : memref<10112x128xf32, #tpu.memory_space<hbm>> -> memref<632x128xf32, #tpu.memory_space<hbm>>
        tpu.enqueue_dma source(%dma_start3A_47 : memref<632x128xf32, #tpu.memory_space<hbm>>) target(%dma_start3A_45 : memref<632x128xf32, #tpu.memory_space<vmem_shared>>) target_semaphore(%run_scoped3A_43 : memref<!tpu.dma_semaphore, #tpu.memory_space<semaphore_mem>>)
        %dma_wait3A = arith.constant 0 : i32
        %dma_wait3A_48 = tpu.memref_slice %arg9[%mul3A_0, %dma_wait3A] : memref<10112x128xf32, #tpu.memory_space<vmem_shared>> -> memref<632x128xf32, #tpu.memory_space<vmem_shared>>
        %dma_wait3A_49 = arith.constant 0 : i32
        %dma_wait3A_50 = tpu.memref_slice %arg4[%mul3A_0, %dma_wait3A_49] : memref<10112x128xf32, #tpu.memory_space<hbm>> -> memref<632x128xf32, #tpu.memory_space<hbm>>
        tpu.wait_dma2 semaphore(%run_scoped3A_43 : memref<!tpu.dma_semaphore, #tpu.memory_space<semaphore_mem>>) src(%dma_wait3A_50 : memref<632x128xf32, #tpu.memory_space<hbm>>) dst(%dma_wait3A_48 : memref<632x128xf32, #tpu.memory_space<vmem_shared>>)
        tpu.yield
      }) : () -> ()
      %barrier3A = arith.constant 0 : index
      tpu.barrier barrier_id(%barrier3A)
      %dma_start3A = arith.constant 0 : i32
      %dma_start3A_22 = arith.constant 0 : i32
      %dma_start3A_23 = arith.constant 0 : i32
      %dma_start3A_24 = tpu.memref_slice %arg2[%dma_start3A, %dma_start3A_22, %dma_start3A_23] : memref<4x163840x128xf32, #tpu.memory_space<hbm>> -> memref<1x163840x128xf32, #tpu.memory_space<hbm>>
      %dma_start3A_25 = tpu.memref_squeeze %dma_start3A_24 : memref<1x163840x128xf32, #tpu.memory_space<hbm>> -> memref<163840x128xf32, #tpu.memory_space<hbm>>
      %dma_start3A_26 = arith.constant 0 : i32
      %dma_start3A_27 = tpu.memref_slice %dma_start3A_25[%mul3A_2, %dma_start3A_26] : memref<163840x128xf32, #tpu.memory_space<hbm>> -> memref<128x128xf32, #tpu.memory_space<hbm>>
      %dma_start3A_28 = arith.constant 0 : i32
      %dma_start3A_29 = arith.constant 0 : i32
      %dma_start3A_30 = tpu.memref_slice %arg2[%dma_start3A, %dma_start3A_28, %dma_start3A_29] : memref<4x163840x128xf32, #tpu.memory_space<hbm>> -> memref<1x163840x128xf32, #tpu.memory_space<hbm>>
      %dma_start3A_31 = tpu.memref_squeeze %dma_start3A_30 : memref<1x163840x128xf32, #tpu.memory_space<hbm>> -> memref<163840x128xf32, #tpu.memory_space<hbm>>
      %dma_start3A_32 = arith.constant 0 : i32
      %dma_start3A_33 = tpu.memref_slice %dma_start3A_31[%mul3A_2, %dma_start3A_32] : memref<163840x128xf32, #tpu.memory_space<hbm>> -> memref<128x128xf32, #tpu.memory_space<hbm>>
      tpu.enqueue_dma source(%dma_start3A_33 : memref<128x128xf32, #tpu.memory_space<hbm>>) target(%arg7 : memref<128x128xf32, #tpu.memory_space<vmem>>) target_semaphore(%arg10 : memref<!tpu.dma_semaphore, #tpu.memory_space<semaphore_mem>>)
      %scan3A = arith.constant 0 : i32
      %scan3A_34 = arith.constant 0 : i32
      %scan3A_35 = arith.constant 0 : i32
      %scan3A_36 = arith.constant 40 : i32
      %scan3A_37 = arith.addi %scan3A_35, %scan3A_36 : i32
      %scan3A_38 = arith.constant 1 : i32
      %scan3A_39 = scf.for %scan3A_43 = %scan3A_35 to %scan3A_37 step %scan3A_38 iter_args(%scan3A_44 = %scan3A_34) -> (i32)  : i32 {
        %mul3A_45 = arith.constant 2 : i32
        %mul3A_46 = arith.muli %mul3A_45, %scan3A_43 : i32
        %mul3A_47 = arith.constant 128 : i32
        %mul3A_48 = arith.muli %mul3A_46, %mul3A_47 : i32
        %add3A = arith.addi %mul3A_2, %mul3A_48 : i32
        %add3A_49 = arith.constant 128 : i32
        %add3A_50 = arith.addi %add3A, %add3A_49 : i32
        %dma_start3A_51 = arith.constant 0 : i32
        %dma_start3A_52 = arith.constant 0 : i32
        %dma_start3A_53 = tpu.memref_slice %arg2[%scan3A, %dma_start3A_51, %dma_start3A_52] : memref<4x163840x128xf32, #tpu.memory_space<hbm>> -> memref<1x163840x128xf32, #tpu.memory_space<hbm>>
        %dma_start3A_54 = tpu.memref_squeeze %dma_start3A_53 : memref<1x163840x128xf32, #tpu.memory_space<hbm>> -> memref<163840x128xf32, #tpu.memory_space<hbm>>
        %dma_start3A_55 = arith.constant 0 : i32
        %dma_start3A_56 = tpu.memref_slice %dma_start3A_54[%add3A_50, %dma_start3A_55] : memref<163840x128xf32, #tpu.memory_space<hbm>> -> memref<128x128xf32, #tpu.memory_space<hbm>>
        %dma_start3A_57 = arith.constant 0 : i32
        %dma_start3A_58 = arith.constant 0 : i32
        %dma_start3A_59 = tpu.memref_slice %arg2[%scan3A, %dma_start3A_57, %dma_start3A_58] : memref<4x163840x128xf32, #tpu.memory_space<hbm>> -> memref<1x163840x128xf32, #tpu.memory_space<hbm>>
        %dma_start3A_60 = tpu.memref_squeeze %dma_start3A_59 : memref<1x163840x128xf32, #tpu.memory_space<hbm>> -> memref<163840x128xf32, #tpu.memory_space<hbm>>
        %dma_start3A_61 = arith.constant 0 : i32
        %dma_start3A_62 = tpu.memref_slice %dma_start3A_60[%add3A_50, %dma_start3A_61] : memref<163840x128xf32, #tpu.memory_space<hbm>> -> memref<128x128xf32, #tpu.memory_space<hbm>>
        tpu.enqueue_dma source(%dma_start3A_62 : memref<128x128xf32, #tpu.memory_space<hbm>>) target(%arg8 : memref<128x128xf32, #tpu.memory_space<vmem>>) target_semaphore(%arg11 : memref<!tpu.dma_semaphore, #tpu.memory_space<semaphore_mem>>)
        %dma_wait3A = arith.constant 0 : i32
        %dma_wait3A_63 = arith.constant 0 : i32
        %dma_wait3A_64 = tpu.memref_slice %arg2[%scan3A, %dma_wait3A, %dma_wait3A_63] : memref<4x163840x128xf32, #tpu.memory_space<hbm>> -> memref<1x163840x128xf32, #tpu.memory_space<hbm>>
        %dma_wait3A_65 = tpu.memref_squeeze %dma_wait3A_64 : memref<1x163840x128xf32, #tpu.memory_space<hbm>> -> memref<163840x128xf32, #tpu.memory_space<hbm>>
        %dma_wait3A_66 = arith.constant 0 : i32
        %dma_wait3A_67 = tpu.memref_slice %dma_wait3A_65[%add3A, %dma_wait3A_66] : memref<163840x128xf32, #tpu.memory_space<hbm>> -> memref<128x128xf32, #tpu.memory_space<hbm>>
        %dma_wait3A_68 = arith.constant 0 : i32
        %dma_wait3A_69 = arith.constant 0 : i32
        %dma_wait3A_70 = tpu.memref_slice %arg2[%scan3A, %dma_wait3A_68, %dma_wait3A_69] : memref<4x163840x128xf32, #tpu.memory_space<hbm>> -> memref<1x163840x128xf32, #tpu.memory_space<hbm>>
        %dma_wait3A_71 = tpu.memref_squeeze %dma_wait3A_70 : memref<1x163840x128xf32, #tpu.memory_space<hbm>> -> memref<163840x128xf32, #tpu.memory_space<hbm>>
        %dma_wait3A_72 = arith.constant 0 : i32
        %dma_wait3A_73 = tpu.memref_slice %dma_wait3A_71[%add3A, %dma_wait3A_72] : memref<163840x128xf32, #tpu.memory_space<hbm>> -> memref<128x128xf32, #tpu.memory_space<hbm>>
        tpu.wait_dma2 semaphore(%arg10 : memref<!tpu.dma_semaphore, #tpu.memory_space<semaphore_mem>>) src(%dma_wait3A_73 : memref<128x128xf32, #tpu.memory_space<hbm>>) dst(%arg7 : memref<128x128xf32, #tpu.memory_space<vmem>>)
        %mul3A_74 = arith.constant 2 : i32
        %mul3A_75 = arith.muli %mul3A_74, %scan3A_43 : i32
        "tpu.region"() ({
          %run_scoped3A_99 = tpu.sem_alloc : memref<!tpu.dma_semaphore, #tpu.memory_space<semaphore_mem>>
          %dma_start3A_100 = arith.constant 0 : i32
          %dma_start3A_101 = tpu.memref_slice %arg6[%mul3A_75, %dma_start3A_100] : memref<80x128xi32, #tpu.memory_space<vmem>> -> memref<1x128xi32, #tpu.memory_space<vmem>>
          %dma_start3A_102 = tpu.memref_squeeze %dma_start3A_101 : memref<1x128xi32, #tpu.memory_space<vmem>> -> memref<128xi32, #tpu.memory_space<vmem>>
          %dma_start3A_103 = arith.constant 0 : i32
          %dma_start3A_104 = arith.constant 0 : i32
          %dma_start3A_105 = tpu.memref_slice %arg9[%dma_start3A_103, %dma_start3A_104] : memref<10112x128xf32, #tpu.memory_space<vmem_shared>> -> memref<10112x128xf32, #tpu.memory_space<vmem_shared>>
          tpu.enqueue_indirect_dma source(%arg7 : memref<128x128xf32, #tpu.memory_space<vmem>>) target(%dma_start3A_105 : memref<10112x128xf32, #tpu.memory_space<vmem_shared>>) offsets(%dma_start3A_102 : memref<128xi32, #tpu.memory_space<vmem>>) semaphore(%run_scoped3A_99 : memref<!tpu.dma_semaphore, #tpu.memory_space<semaphore_mem>>) {add = true}
          %dma_wait3A_106 = arith.constant 0 : i32
          %dma_wait3A_107 = tpu.memref_slice %arg6[%mul3A_75, %dma_wait3A_106] : memref<80x128xi32, #tpu.memory_space<vmem>> -> memref<1x128xi32, #tpu.memory_space<vmem>>
          %dma_wait3A_108 = tpu.memref_squeeze %dma_wait3A_107 : memref<1x128xi32, #tpu.memory_space<vmem>> -> memref<128xi32, #tpu.memory_space<vmem>>
          %dma_wait3A_109 = arith.constant 0 : i32
          %dma_wait3A_110 = arith.constant 0 : i32
          %dma_wait3A_111 = tpu.memref_slice %arg9[%dma_wait3A_109, %dma_wait3A_110] : memref<10112x128xf32, #tpu.memory_space<vmem_shared>> -> memref<10112x128xf32, #tpu.memory_space<vmem_shared>>
          tpu.wait_indirect_dma semaphore(%run_scoped3A_99 : memref<!tpu.dma_semaphore, #tpu.memory_space<semaphore_mem>>) src(%arg7 : memref<128x128xf32, #tpu.memory_space<vmem>>) dst(%dma_wait3A_111 : memref<10112x128xf32, #tpu.memory_space<vmem_shared>>)
          tpu.yield
        }) : () -> ()
        %lt3A = arith.constant 39 : i32
        %lt3A_76 = arith.cmpi slt, %scan3A_43, %lt3A : i32
        %convert_element_type3A_77 = arith.extui %lt3A_76 : i1 to i32
        %cond3A_78 = arith.constant 0 : i32
        %cond3A_79 = arith.cmpi ne, %convert_element_type3A_77, %cond3A_78 : i32
        scf.if %cond3A_79 {
          %add3A_99 = arith.constant 256 : i32
          %add3A_100 = arith.addi %add3A, %add3A_99 : i32
          %dma_start3A_101 = arith.constant 0 : i32
          %dma_start3A_102 = arith.constant 0 : i32
          %dma_start3A_103 = tpu.memref_slice %arg2[%scan3A, %dma_start3A_101, %dma_start3A_102] : memref<4x163840x128xf32, #tpu.memory_space<hbm>> -> memref<1x163840x128xf32, #tpu.memory_space<hbm>>
          %dma_start3A_104 = tpu.memref_squeeze %dma_start3A_103 : memref<1x163840x128xf32, #tpu.memory_space<hbm>> -> memref<163840x128xf32, #tpu.memory_space<hbm>>
          %dma_start3A_105 = arith.constant 0 : i32
          %dma_start3A_106 = tpu.memref_slice %dma_start3A_104[%add3A_100, %dma_start3A_105] : memref<163840x128xf32, #tpu.memory_space<hbm>> -> memref<128x128xf32, #tpu.memory_space<hbm>>
          %dma_start3A_107 = arith.constant 0 : i32
          %dma_start3A_108 = arith.constant 0 : i32
          %dma_start3A_109 = tpu.memref_slice %arg2[%scan3A, %dma_start3A_107, %dma_start3A_108] : memref<4x163840x128xf32, #tpu.memory_space<hbm>> -> memref<1x163840x128xf32, #tpu.memory_space<hbm>>
          %dma_start3A_110 = tpu.memref_squeeze %dma_start3A_109 : memref<1x163840x128xf32, #tpu.memory_space<hbm>> -> memref<163840x128xf32, #tpu.memory_space<hbm>>
          %dma_start3A_111 = arith.constant 0 : i32
          %dma_start3A_112 = tpu.memref_slice %dma_start3A_110[%add3A_100, %dma_start3A_111] : memref<163840x128xf32, #tpu.memory_space<hbm>> -> memref<128x128xf32, #tpu.memory_space<hbm>>
          tpu.enqueue_dma source(%dma_start3A_112 : memref<128x128xf32, #tpu.memory_space<hbm>>) target(%arg7 : memref<128x128xf32, #tpu.memory_space<vmem>>) target_semaphore(%arg10 : memref<!tpu.dma_semaphore, #tpu.memory_space<semaphore_mem>>)
        } else {
        }
        %add3A_80 = arith.constant 128 : i32
        %add3A_81 = arith.addi %add3A, %add3A_80 : i32
        %dma_wait3A_82 = arith.constant 0 : i32
        %dma_wait3A_83 = arith.constant 0 : i32
        %dma_wait3A_84 = tpu.memref_slice %arg2[%scan3A, %dma_wait3A_82, %dma_wait3A_83] : memref<4x163840x128xf32, #tpu.memory_space<hbm>> -> memref<1x163840x128xf32, #tpu.memory_space<hbm>>
        %dma_wait3A_85 = tpu.memref_squeeze %dma_wait3A_84 : memref<1x163840x128xf32, #tpu.memory_space<hbm>> -> memref<163840x128xf32, #tpu.memory_space<hbm>>
        %dma_wait3A_86 = arith.constant 0 : i32
        %dma_wait3A_87 = tpu.memref_slice %dma_wait3A_85[%add3A_81, %dma_wait3A_86] : memref<163840x128xf32, #tpu.memory_space<hbm>> -> memref<128x128xf32, #tpu.memory_space<hbm>>
        %dma_wait3A_88 = arith.constant 0 : i32
        %dma_wait3A_89 = arith.constant 0 : i32
        %dma_wait3A_90 = tpu.memref_slice %arg2[%scan3A, %dma_wait3A_88, %dma_wait3A_89] : memref<4x163840x128xf32, #tpu.memory_space<hbm>> -> memref<1x163840x128xf32, #tpu.memory_space<hbm>>
        %dma_wait3A_91 = tpu.memref_squeeze %dma_wait3A_90 : memref<1x163840x128xf32, #tpu.memory_space<hbm>> -> memref<163840x128xf32, #tpu.memory_space<hbm>>
        %dma_wait3A_92 = arith.constant 0 : i32
        %dma_wait3A_93 = tpu.memref_slice %dma_wait3A_91[%add3A_81, %dma_wait3A_92] : memref<163840x128xf32, #tpu.memory_space<hbm>> -> memref<128x128xf32, #tpu.memory_space<hbm>>
        tpu.wait_dma2 semaphore(%arg11 : memref<!tpu.dma_semaphore, #tpu.memory_space<semaphore_mem>>) src(%dma_wait3A_93 : memref<128x128xf32, #tpu.memory_space<hbm>>) dst(%arg8 : memref<128x128xf32, #tpu.memory_space<vmem>>)
        %mul3A_94 = arith.constant 2 : i32
        %mul3A_95 = arith.muli %mul3A_94, %scan3A_43 : i32
        %add3A_96 = arith.constant 1 : i32
        %add3A_97 = arith.addi %mul3A_95, %add3A_96 : i32
        "tpu.region"() ({
          %run_scoped3A_99 = tpu.sem_alloc : memref<!tpu.dma_semaphore, #tpu.memory_space<semaphore_mem>>
          %dma_start3A_100 = arith.constant 0 : i32
          %dma_start3A_101 = tpu.memref_slice %arg6[%add3A_97, %dma_start3A_100] : memref<80x128xi32, #tpu.memory_space<vmem>> -> memref<1x128xi32, #tpu.memory_space<vmem>>
          %dma_start3A_102 = tpu.memref_squeeze %dma_start3A_101 : memref<1x128xi32, #tpu.memory_space<vmem>> -> memref<128xi32, #tpu.memory_space<vmem>>
          %dma_start3A_103 = arith.constant 0 : i32
          %dma_start3A_104 = arith.constant 0 : i32
          %dma_start3A_105 = tpu.memref_slice %arg9[%dma_start3A_103, %dma_start3A_104] : memref<10112x128xf32, #tpu.memory_space<vmem_shared>> -> memref<10112x128xf32, #tpu.memory_space<vmem_shared>>
          tpu.enqueue_indirect_dma source(%arg8 : memref<128x128xf32, #tpu.memory_space<vmem>>) target(%dma_start3A_105 : memref<10112x128xf32, #tpu.memory_space<vmem_shared>>) offsets(%dma_start3A_102 : memref<128xi32, #tpu.memory_space<vmem>>) semaphore(%run_scoped3A_99 : memref<!tpu.dma_semaphore, #tpu.memory_space<semaphore_mem>>) {add = true}
          %dma_wait3A_106 = arith.constant 0 : i32
          %dma_wait3A_107 = tpu.memref_slice %arg6[%add3A_97, %dma_wait3A_106] : memref<80x128xi32, #tpu.memory_space<vmem>> -> memref<1x128xi32, #tpu.memory_space<vmem>>
          %dma_wait3A_108 = tpu.memref_squeeze %dma_wait3A_107 : memref<1x128xi32, #tpu.memory_space<vmem>> -> memref<128xi32, #tpu.memory_space<vmem>>
          %dma_wait3A_109 = arith.constant 0 : i32
          %dma_wait3A_110 = arith.constant 0 : i32
          %dma_wait3A_111 = tpu.memref_slice %arg9[%dma_wait3A_109, %dma_wait3A_110] : memref<10112x128xf32, #tpu.memory_space<vmem_shared>> -> memref<10112x128xf32, #tpu.memory_space<vmem_shared>>
          tpu.wait_indirect_dma semaphore(%run_scoped3A_99 : memref<!tpu.dma_semaphore, #tpu.memory_space<semaphore_mem>>) src(%arg8 : memref<128x128xf32, #tpu.memory_space<vmem>>) dst(%dma_wait3A_111 : memref<10112x128xf32, #tpu.memory_space<vmem_shared>>)
          tpu.yield
        }) : () -> ()
        %scan3A_98 = arith.constant 0 : i32
        scf.yield %scan3A_98 : i32
      }
      %scan3A_40 = arith.constant 40 : i32
      %barrier3A_41 = arith.constant 0 : index
      tpu.barrier barrier_id(%barrier3A_41)
      %run_scoped3A = arith.constant 0 : i32
      "tpu.region"() ({
        %run_scoped3A_43 = tpu.sem_alloc : memref<!tpu.dma_semaphore, #tpu.memory_space<semaphore_mem>>
        %dma_start3A_44 = arith.constant 0 : i32
        %dma_start3A_45 = arith.constant 0 : i32
        %dma_start3A_46 = tpu.memref_slice %arg5[%run_scoped3A, %dma_start3A_44, %dma_start3A_45] : memref<4x10112x128xf32, #tpu.memory_space<hbm>> -> memref<1x10112x128xf32, #tpu.memory_space<hbm>>
        %dma_start3A_47 = tpu.memref_squeeze %dma_start3A_46 : memref<1x10112x128xf32, #tpu.memory_space<hbm>> -> memref<10112x128xf32, #tpu.memory_space<hbm>>
        %dma_start3A_48 = arith.constant 0 : i32
        %dma_start3A_49 = tpu.memref_slice %dma_start3A_47[%mul3A_0, %dma_start3A_48] : memref<10112x128xf32, #tpu.memory_space<hbm>> -> memref<632x128xf32, #tpu.memory_space<hbm>>
        %dma_start3A_50 = arith.constant 0 : i32
        %dma_start3A_51 = tpu.memref_slice %arg9[%mul3A_0, %dma_start3A_50] : memref<10112x128xf32, #tpu.memory_space<vmem_shared>> -> memref<632x128xf32, #tpu.memory_space<vmem_shared>>
        tpu.enqueue_dma source(%dma_start3A_51 : memref<632x128xf32, #tpu.memory_space<vmem_shared>>) target(%dma_start3A_49 : memref<632x128xf32, #tpu.memory_space<hbm>>) target_semaphore(%run_scoped3A_43 : memref<!tpu.dma_semaphore, #tpu.memory_space<semaphore_mem>>)
        %dma_wait3A = arith.constant 0 : i32
        %dma_wait3A_52 = arith.constant 0 : i32
        %dma_wait3A_53 = tpu.memref_slice %arg5[%run_scoped3A, %dma_wait3A, %dma_wait3A_52] : memref<4x10112x128xf32, #tpu.memory_space<hbm>> -> memref<1x10112x128xf32, #tpu.memory_space<hbm>>
        %dma_wait3A_54 = tpu.memref_squeeze %dma_wait3A_53 : memref<1x10112x128xf32, #tpu.memory_space<hbm>> -> memref<10112x128xf32, #tpu.memory_space<hbm>>
        %dma_wait3A_55 = arith.constant 0 : i32
        %dma_wait3A_56 = tpu.memref_slice %dma_wait3A_54[%mul3A_0, %dma_wait3A_55] : memref<10112x128xf32, #tpu.memory_space<hbm>> -> memref<632x128xf32, #tpu.memory_space<hbm>>
        %dma_wait3A_57 = arith.constant 0 : i32
        %dma_wait3A_58 = tpu.memref_slice %arg9[%mul3A_0, %dma_wait3A_57] : memref<10112x128xf32, #tpu.memory_space<vmem_shared>> -> memref<632x128xf32, #tpu.memory_space<vmem_shared>>
        tpu.wait_dma2 semaphore(%run_scoped3A_43 : memref<!tpu.dma_semaphore, #tpu.memory_space<semaphore_mem>>) src(%dma_wait3A_58 : memref<632x128xf32, #tpu.memory_space<vmem_shared>>) dst(%dma_wait3A_56 : memref<632x128xf32, #tpu.memory_space<hbm>>)
        tpu.yield
      }) : () -> ()
      %barrier3A_42 = arith.constant 0 : index
      tpu.barrier barrier_id(%barrier3A_42)
    } else {
    }
    %eq3A_7 = arith.constant 1 : i32
    %eq3A_8 = arith.cmpi eq, %arg0, %eq3A_7 : i32
    %convert_element_type3A_9 = arith.extui %eq3A_8 : i1 to i32
    %cond3A_10 = arith.constant 0 : i32
    %cond3A_11 = arith.cmpi ne, %convert_element_type3A_9, %cond3A_10 : i32
    scf.if %cond3A_11 {
      "tpu.region"() ({
        %run_scoped3A_43 = tpu.sem_alloc : memref<!tpu.dma_semaphore, #tpu.memory_space<semaphore_mem>>
        %dma_start3A_44 = arith.constant 0 : i32
        %dma_start3A_45 = tpu.memref_slice %arg9[%mul3A_0, %dma_start3A_44] : memref<10112x128xf32, #tpu.memory_space<vmem_shared>> -> memref<632x128xf32, #tpu.memory_space<vmem_shared>>
        %dma_start3A_46 = arith.constant 0 : i32
        %dma_start3A_47 = tpu.memref_slice %arg4[%mul3A_0, %dma_start3A_46] : memref<10112x128xf32, #tpu.memory_space<hbm>> -> memref<632x128xf32, #tpu.memory_space<hbm>>
        tpu.enqueue_dma source(%dma_start3A_47 : memref<632x128xf32, #tpu.memory_space<hbm>>) target(%dma_start3A_45 : memref<632x128xf32, #tpu.memory_space<vmem_shared>>) target_semaphore(%run_scoped3A_43 : memref<!tpu.dma_semaphore, #tpu.memory_space<semaphore_mem>>)
        %dma_wait3A = arith.constant 0 : i32
        %dma_wait3A_48 = tpu.memref_slice %arg9[%mul3A_0, %dma_wait3A] : memref<10112x128xf32, #tpu.memory_space<vmem_shared>> -> memref<632x128xf32, #tpu.memory_space<vmem_shared>>
        %dma_wait3A_49 = arith.constant 0 : i32
        %dma_wait3A_50 = tpu.memref_slice %arg4[%mul3A_0, %dma_wait3A_49] : memref<10112x128xf32, #tpu.memory_space<hbm>> -> memref<632x128xf32, #tpu.memory_space<hbm>>
        tpu.wait_dma2 semaphore(%run_scoped3A_43 : memref<!tpu.dma_semaphore, #tpu.memory_space<semaphore_mem>>) src(%dma_wait3A_50 : memref<632x128xf32, #tpu.memory_space<hbm>>) dst(%dma_wait3A_48 : memref<632x128xf32, #tpu.memory_space<vmem_shared>>)
        tpu.yield
      }) : () -> ()
      %barrier3A = arith.constant 0 : index
      tpu.barrier barrier_id(%barrier3A)
      %dma_start3A = arith.constant 2 : i32
      %dma_start3A_22 = arith.constant 0 : i32
      %dma_start3A_23 = arith.constant 0 : i32
      %dma_start3A_24 = tpu.memref_slice %arg2[%dma_start3A, %dma_start3A_22, %dma_start3A_23] : memref<4x163840x128xf32, #tpu.memory_space<hbm>> -> memref<1x163840x128xf32, #tpu.memory_space<hbm>>
      %dma_start3A_25 = tpu.memref_squeeze %dma_start3A_24 : memref<1x163840x128xf32, #tpu.memory_space<hbm>> -> memref<163840x128xf32, #tpu.memory_space<hbm>>
      %dma_start3A_26 = arith.constant 0 : i32
      %dma_start3A_27 = tpu.memref_slice %dma_start3A_25[%mul3A_2, %dma_start3A_26] : memref<163840x128xf32, #tpu.memory_space<hbm>> -> memref<128x128xf32, #tpu.memory_space<hbm>>
      %dma_start3A_28 = arith.constant 0 : i32
      %dma_start3A_29 = arith.constant 0 : i32
      %dma_start3A_30 = tpu.memref_slice %arg2[%dma_start3A, %dma_start3A_28, %dma_start3A_29] : memref<4x163840x128xf32, #tpu.memory_space<hbm>> -> memref<1x163840x128xf32, #tpu.memory_space<hbm>>
      %dma_start3A_31 = tpu.memref_squeeze %dma_start3A_30 : memref<1x163840x128xf32, #tpu.memory_space<hbm>> -> memref<163840x128xf32, #tpu.memory_space<hbm>>
      %dma_start3A_32 = arith.constant 0 : i32
      %dma_start3A_33 = tpu.memref_slice %dma_start3A_31[%mul3A_2, %dma_start3A_32] : memref<163840x128xf32, #tpu.memory_space<hbm>> -> memref<128x128xf32, #tpu.memory_space<hbm>>
      tpu.enqueue_dma source(%dma_start3A_33 : memref<128x128xf32, #tpu.memory_space<hbm>>) target(%arg7 : memref<128x128xf32, #tpu.memory_space<vmem>>) target_semaphore(%arg10 : memref<!tpu.dma_semaphore, #tpu.memory_space<semaphore_mem>>)
      %scan3A = arith.constant 2 : i32
      %scan3A_34 = arith.constant 0 : i32
      %scan3A_35 = arith.constant 0 : i32
      %scan3A_36 = arith.constant 40 : i32
      %scan3A_37 = arith.addi %scan3A_35, %scan3A_36 : i32
      %scan3A_38 = arith.constant 1 : i32
      %scan3A_39 = scf.for %scan3A_43 = %scan3A_35 to %scan3A_37 step %scan3A_38 iter_args(%scan3A_44 = %scan3A_34) -> (i32)  : i32 {
        %mul3A_45 = arith.constant 2 : i32
        %mul3A_46 = arith.muli %mul3A_45, %scan3A_43 : i32
        %mul3A_47 = arith.constant 128 : i32
        %mul3A_48 = arith.muli %mul3A_46, %mul3A_47 : i32
        %add3A = arith.addi %mul3A_2, %mul3A_48 : i32
        %add3A_49 = arith.constant 128 : i32
        %add3A_50 = arith.addi %add3A, %add3A_49 : i32
        %dma_start3A_51 = arith.constant 0 : i32
        %dma_start3A_52 = arith.constant 0 : i32
        %dma_start3A_53 = tpu.memref_slice %arg2[%scan3A, %dma_start3A_51, %dma_start3A_52] : memref<4x163840x128xf32, #tpu.memory_space<hbm>> -> memref<1x163840x128xf32, #tpu.memory_space<hbm>>
        %dma_start3A_54 = tpu.memref_squeeze %dma_start3A_53 : memref<1x163840x128xf32, #tpu.memory_space<hbm>> -> memref<163840x128xf32, #tpu.memory_space<hbm>>
        %dma_start3A_55 = arith.constant 0 : i32
        %dma_start3A_56 = tpu.memref_slice %dma_start3A_54[%add3A_50, %dma_start3A_55] : memref<163840x128xf32, #tpu.memory_space<hbm>> -> memref<128x128xf32, #tpu.memory_space<hbm>>
        %dma_start3A_57 = arith.constant 0 : i32
        %dma_start3A_58 = arith.constant 0 : i32
        %dma_start3A_59 = tpu.memref_slice %arg2[%scan3A, %dma_start3A_57, %dma_start3A_58] : memref<4x163840x128xf32, #tpu.memory_space<hbm>> -> memref<1x163840x128xf32, #tpu.memory_space<hbm>>
        %dma_start3A_60 = tpu.memref_squeeze %dma_start3A_59 : memref<1x163840x128xf32, #tpu.memory_space<hbm>> -> memref<163840x128xf32, #tpu.memory_space<hbm>>
        %dma_start3A_61 = arith.constant 0 : i32
        %dma_start3A_62 = tpu.memref_slice %dma_start3A_60[%add3A_50, %dma_start3A_61] : memref<163840x128xf32, #tpu.memory_space<hbm>> -> memref<128x128xf32, #tpu.memory_space<hbm>>
        tpu.enqueue_dma source(%dma_start3A_62 : memref<128x128xf32, #tpu.memory_space<hbm>>) target(%arg8 : memref<128x128xf32, #tpu.memory_space<vmem>>) target_semaphore(%arg11 : memref<!tpu.dma_semaphore, #tpu.memory_space<semaphore_mem>>)
        %dma_wait3A = arith.constant 0 : i32
        %dma_wait3A_63 = arith.constant 0 : i32
        %dma_wait3A_64 = tpu.memref_slice %arg2[%scan3A, %dma_wait3A, %dma_wait3A_63] : memref<4x163840x128xf32, #tpu.memory_space<hbm>> -> memref<1x163840x128xf32, #tpu.memory_space<hbm>>
        %dma_wait3A_65 = tpu.memref_squeeze %dma_wait3A_64 : memref<1x163840x128xf32, #tpu.memory_space<hbm>> -> memref<163840x128xf32, #tpu.memory_space<hbm>>
        %dma_wait3A_66 = arith.constant 0 : i32
        %dma_wait3A_67 = tpu.memref_slice %dma_wait3A_65[%add3A, %dma_wait3A_66] : memref<163840x128xf32, #tpu.memory_space<hbm>> -> memref<128x128xf32, #tpu.memory_space<hbm>>
        %dma_wait3A_68 = arith.constant 0 : i32
        %dma_wait3A_69 = arith.constant 0 : i32
        %dma_wait3A_70 = tpu.memref_slice %arg2[%scan3A, %dma_wait3A_68, %dma_wait3A_69] : memref<4x163840x128xf32, #tpu.memory_space<hbm>> -> memref<1x163840x128xf32, #tpu.memory_space<hbm>>
        %dma_wait3A_71 = tpu.memref_squeeze %dma_wait3A_70 : memref<1x163840x128xf32, #tpu.memory_space<hbm>> -> memref<163840x128xf32, #tpu.memory_space<hbm>>
        %dma_wait3A_72 = arith.constant 0 : i32
        %dma_wait3A_73 = tpu.memref_slice %dma_wait3A_71[%add3A, %dma_wait3A_72] : memref<163840x128xf32, #tpu.memory_space<hbm>> -> memref<128x128xf32, #tpu.memory_space<hbm>>
        tpu.wait_dma2 semaphore(%arg10 : memref<!tpu.dma_semaphore, #tpu.memory_space<semaphore_mem>>) src(%dma_wait3A_73 : memref<128x128xf32, #tpu.memory_space<hbm>>) dst(%arg7 : memref<128x128xf32, #tpu.memory_space<vmem>>)
        %mul3A_74 = arith.constant 2 : i32
        %mul3A_75 = arith.muli %mul3A_74, %scan3A_43 : i32
        "tpu.region"() ({
          %run_scoped3A_99 = tpu.sem_alloc : memref<!tpu.dma_semaphore, #tpu.memory_space<semaphore_mem>>
          %dma_start3A_100 = arith.constant 0 : i32
          %dma_start3A_101 = tpu.memref_slice %arg6[%mul3A_75, %dma_start3A_100] : memref<80x128xi32, #tpu.memory_space<vmem>> -> memref<1x128xi32, #tpu.memory_space<vmem>>
          %dma_start3A_102 = tpu.memref_squeeze %dma_start3A_101 : memref<1x128xi32, #tpu.memory_space<vmem>> -> memref<128xi32, #tpu.memory_space<vmem>>
          %dma_start3A_103 = arith.constant 0 : i32
          %dma_start3A_104 = arith.constant 0 : i32
          %dma_start3A_105 = tpu.memref_slice %arg9[%dma_start3A_103, %dma_start3A_104] : memref<10112x128xf32, #tpu.memory_space<vmem_shared>> -> memref<10112x128xf32, #tpu.memory_space<vmem_shared>>
          tpu.enqueue_indirect_dma source(%arg7 : memref<128x128xf32, #tpu.memory_space<vmem>>) target(%dma_start3A_105 : memref<10112x128xf32, #tpu.memory_space<vmem_shared>>) offsets(%dma_start3A_102 : memref<128xi32, #tpu.memory_space<vmem>>) semaphore(%run_scoped3A_99 : memref<!tpu.dma_semaphore, #tpu.memory_space<semaphore_mem>>) {add = true}
          %dma_wait3A_106 = arith.constant 0 : i32
          %dma_wait3A_107 = tpu.memref_slice %arg6[%mul3A_75, %dma_wait3A_106] : memref<80x128xi32, #tpu.memory_space<vmem>> -> memref<1x128xi32, #tpu.memory_space<vmem>>
          %dma_wait3A_108 = tpu.memref_squeeze %dma_wait3A_107 : memref<1x128xi32, #tpu.memory_space<vmem>> -> memref<128xi32, #tpu.memory_space<vmem>>
          %dma_wait3A_109 = arith.constant 0 : i32
          %dma_wait3A_110 = arith.constant 0 : i32
          %dma_wait3A_111 = tpu.memref_slice %arg9[%dma_wait3A_109, %dma_wait3A_110] : memref<10112x128xf32, #tpu.memory_space<vmem_shared>> -> memref<10112x128xf32, #tpu.memory_space<vmem_shared>>
          tpu.wait_indirect_dma semaphore(%run_scoped3A_99 : memref<!tpu.dma_semaphore, #tpu.memory_space<semaphore_mem>>) src(%arg7 : memref<128x128xf32, #tpu.memory_space<vmem>>) dst(%dma_wait3A_111 : memref<10112x128xf32, #tpu.memory_space<vmem_shared>>)
          tpu.yield
        }) : () -> ()
        %lt3A = arith.constant 39 : i32
        %lt3A_76 = arith.cmpi slt, %scan3A_43, %lt3A : i32
        %convert_element_type3A_77 = arith.extui %lt3A_76 : i1 to i32
        %cond3A_78 = arith.constant 0 : i32
        %cond3A_79 = arith.cmpi ne, %convert_element_type3A_77, %cond3A_78 : i32
        scf.if %cond3A_79 {
          %add3A_99 = arith.constant 256 : i32
          %add3A_100 = arith.addi %add3A, %add3A_99 : i32
          %dma_start3A_101 = arith.constant 0 : i32
          %dma_start3A_102 = arith.constant 0 : i32
          %dma_start3A_103 = tpu.memref_slice %arg2[%scan3A, %dma_start3A_101, %dma_start3A_102] : memref<4x163840x128xf32, #tpu.memory_space<hbm>> -> memref<1x163840x128xf32, #tpu.memory_space<hbm>>
          %dma_start3A_104 = tpu.memref_squeeze %dma_start3A_103 : memref<1x163840x128xf32, #tpu.memory_space<hbm>> -> memref<163840x128xf32, #tpu.memory_space<hbm>>
          %dma_start3A_105 = arith.constant 0 : i32
          %dma_start3A_106 = tpu.memref_slice %dma_start3A_104[%add3A_100, %dma_start3A_105] : memref<163840x128xf32, #tpu.memory_space<hbm>> -> memref<128x128xf32, #tpu.memory_space<hbm>>
          %dma_start3A_107 = arith.constant 0 : i32
          %dma_start3A_108 = arith.constant 0 : i32
          %dma_start3A_109 = tpu.memref_slice %arg2[%scan3A, %dma_start3A_107, %dma_start3A_108] : memref<4x163840x128xf32, #tpu.memory_space<hbm>> -> memref<1x163840x128xf32, #tpu.memory_space<hbm>>
          %dma_start3A_110 = tpu.memref_squeeze %dma_start3A_109 : memref<1x163840x128xf32, #tpu.memory_space<hbm>> -> memref<163840x128xf32, #tpu.memory_space<hbm>>
          %dma_start3A_111 = arith.constant 0 : i32
          %dma_start3A_112 = tpu.memref_slice %dma_start3A_110[%add3A_100, %dma_start3A_111] : memref<163840x128xf32, #tpu.memory_space<hbm>> -> memref<128x128xf32, #tpu.memory_space<hbm>>
          tpu.enqueue_dma source(%dma_start3A_112 : memref<128x128xf32, #tpu.memory_space<hbm>>) target(%arg7 : memref<128x128xf32, #tpu.memory_space<vmem>>) target_semaphore(%arg10 : memref<!tpu.dma_semaphore, #tpu.memory_space<semaphore_mem>>)
        } else {
        }
        %add3A_80 = arith.constant 128 : i32
        %add3A_81 = arith.addi %add3A, %add3A_80 : i32
        %dma_wait3A_82 = arith.constant 0 : i32
        %dma_wait3A_83 = arith.constant 0 : i32
        %dma_wait3A_84 = tpu.memref_slice %arg2[%scan3A, %dma_wait3A_82, %dma_wait3A_83] : memref<4x163840x128xf32, #tpu.memory_space<hbm>> -> memref<1x163840x128xf32, #tpu.memory_space<hbm>>
        %dma_wait3A_85 = tpu.memref_squeeze %dma_wait3A_84 : memref<1x163840x128xf32, #tpu.memory_space<hbm>> -> memref<163840x128xf32, #tpu.memory_space<hbm>>
        %dma_wait3A_86 = arith.constant 0 : i32
        %dma_wait3A_87 = tpu.memref_slice %dma_wait3A_85[%add3A_81, %dma_wait3A_86] : memref<163840x128xf32, #tpu.memory_space<hbm>> -> memref<128x128xf32, #tpu.memory_space<hbm>>
        %dma_wait3A_88 = arith.constant 0 : i32
        %dma_wait3A_89 = arith.constant 0 : i32
        %dma_wait3A_90 = tpu.memref_slice %arg2[%scan3A, %dma_wait3A_88, %dma_wait3A_89] : memref<4x163840x128xf32, #tpu.memory_space<hbm>> -> memref<1x163840x128xf32, #tpu.memory_space<hbm>>
        %dma_wait3A_91 = tpu.memref_squeeze %dma_wait3A_90 : memref<1x163840x128xf32, #tpu.memory_space<hbm>> -> memref<163840x128xf32, #tpu.memory_space<hbm>>
        %dma_wait3A_92 = arith.constant 0 : i32
        %dma_wait3A_93 = tpu.memref_slice %dma_wait3A_91[%add3A_81, %dma_wait3A_92] : memref<163840x128xf32, #tpu.memory_space<hbm>> -> memref<128x128xf32, #tpu.memory_space<hbm>>
        tpu.wait_dma2 semaphore(%arg11 : memref<!tpu.dma_semaphore, #tpu.memory_space<semaphore_mem>>) src(%dma_wait3A_93 : memref<128x128xf32, #tpu.memory_space<hbm>>) dst(%arg8 : memref<128x128xf32, #tpu.memory_space<vmem>>)
        %mul3A_94 = arith.constant 2 : i32
        %mul3A_95 = arith.muli %mul3A_94, %scan3A_43 : i32
        %add3A_96 = arith.constant 1 : i32
        %add3A_97 = arith.addi %mul3A_95, %add3A_96 : i32
        "tpu.region"() ({
          %run_scoped3A_99 = tpu.sem_alloc : memref<!tpu.dma_semaphore, #tpu.memory_space<semaphore_mem>>
          %dma_start3A_100 = arith.constant 0 : i32
          %dma_start3A_101 = tpu.memref_slice %arg6[%add3A_97, %dma_start3A_100] : memref<80x128xi32, #tpu.memory_space<vmem>> -> memref<1x128xi32, #tpu.memory_space<vmem>>
          %dma_start3A_102 = tpu.memref_squeeze %dma_start3A_101 : memref<1x128xi32, #tpu.memory_space<vmem>> -> memref<128xi32, #tpu.memory_space<vmem>>
          %dma_start3A_103 = arith.constant 0 : i32
          %dma_start3A_104 = arith.constant 0 : i32
          %dma_start3A_105 = tpu.memref_slice %arg9[%dma_start3A_103, %dma_start3A_104] : memref<10112x128xf32, #tpu.memory_space<vmem_shared>> -> memref<10112x128xf32, #tpu.memory_space<vmem_shared>>
          tpu.enqueue_indirect_dma source(%arg8 : memref<128x128xf32, #tpu.memory_space<vmem>>) target(%dma_start3A_105 : memref<10112x128xf32, #tpu.memory_space<vmem_shared>>) offsets(%dma_start3A_102 : memref<128xi32, #tpu.memory_space<vmem>>) semaphore(%run_scoped3A_99 : memref<!tpu.dma_semaphore, #tpu.memory_space<semaphore_mem>>) {add = true}
          %dma_wait3A_106 = arith.constant 0 : i32
          %dma_wait3A_107 = tpu.memref_slice %arg6[%add3A_97, %dma_wait3A_106] : memref<80x128xi32, #tpu.memory_space<vmem>> -> memref<1x128xi32, #tpu.memory_space<vmem>>
          %dma_wait3A_108 = tpu.memref_squeeze %dma_wait3A_107 : memref<1x128xi32, #tpu.memory_space<vmem>> -> memref<128xi32, #tpu.memory_space<vmem>>
          %dma_wait3A_109 = arith.constant 0 : i32
          %dma_wait3A_110 = arith.constant 0 : i32
          %dma_wait3A_111 = tpu.memref_slice %arg9[%dma_wait3A_109, %dma_wait3A_110] : memref<10112x128xf32, #tpu.memory_space<vmem_shared>> -> memref<10112x128xf32, #tpu.memory_space<vmem_shared>>
          tpu.wait_indirect_dma semaphore(%run_scoped3A_99 : memref<!tpu.dma_semaphore, #tpu.memory_space<semaphore_mem>>) src(%arg8 : memref<128x128xf32, #tpu.memory_space<vmem>>) dst(%dma_wait3A_111 : memref<10112x128xf32, #tpu.memory_space<vmem_shared>>)
          tpu.yield
        }) : () -> ()
        %scan3A_98 = arith.constant 0 : i32
        scf.yield %scan3A_98 : i32
      }
      %scan3A_40 = arith.constant 40 : i32
      %barrier3A_41 = arith.constant 0 : index
      tpu.barrier barrier_id(%barrier3A_41)
      %run_scoped3A = arith.constant 2 : i32
      "tpu.region"() ({
        %run_scoped3A_43 = tpu.sem_alloc : memref<!tpu.dma_semaphore, #tpu.memory_space<semaphore_mem>>
        %dma_start3A_44 = arith.constant 0 : i32
        %dma_start3A_45 = arith.constant 0 : i32
        %dma_start3A_46 = tpu.memref_slice %arg5[%run_scoped3A, %dma_start3A_44, %dma_start3A_45] : memref<4x10112x128xf32, #tpu.memory_space<hbm>> -> memref<1x10112x128xf32, #tpu.memory_space<hbm>>
        %dma_start3A_47 = tpu.memref_squeeze %dma_start3A_46 : memref<1x10112x128xf32, #tpu.memory_space<hbm>> -> memref<10112x128xf32, #tpu.memory_space<hbm>>
        %dma_start3A_48 = arith.constant 0 : i32
        %dma_start3A_49 = tpu.memref_slice %dma_start3A_47[%mul3A_0, %dma_start3A_48] : memref<10112x128xf32, #tpu.memory_space<hbm>> -> memref<632x128xf32, #tpu.memory_space<hbm>>
        %dma_start3A_50 = arith.constant 0 : i32
        %dma_start3A_51 = tpu.memref_slice %arg9[%mul3A_0, %dma_start3A_50] : memref<10112x128xf32, #tpu.memory_space<vmem_shared>> -> memref<632x128xf32, #tpu.memory_space<vmem_shared>>
        tpu.enqueue_dma source(%dma_start3A_51 : memref<632x128xf32, #tpu.memory_space<vmem_shared>>) target(%dma_start3A_49 : memref<632x128xf32, #tpu.memory_space<hbm>>) target_semaphore(%run_scoped3A_43 : memref<!tpu.dma_semaphore, #tpu.memory_space<semaphore_mem>>)
        %dma_wait3A = arith.constant 0 : i32
        %dma_wait3A_52 = arith.constant 0 : i32
        %dma_wait3A_53 = tpu.memref_slice %arg5[%run_scoped3A, %dma_wait3A, %dma_wait3A_52] : memref<4x10112x128xf32, #tpu.memory_space<hbm>> -> memref<1x10112x128xf32, #tpu.memory_space<hbm>>
        %dma_wait3A_54 = tpu.memref_squeeze %dma_wait3A_53 : memref<1x10112x128xf32, #tpu.memory_space<hbm>> -> memref<10112x128xf32, #tpu.memory_space<hbm>>
        %dma_wait3A_55 = arith.constant 0 : i32
        %dma_wait3A_56 = tpu.memref_slice %dma_wait3A_54[%mul3A_0, %dma_wait3A_55] : memref<10112x128xf32, #tpu.memory_space<hbm>> -> memref<632x128xf32, #tpu.memory_space<hbm>>
        %dma_wait3A_57 = arith.constant 0 : i32
        %dma_wait3A_58 = tpu.memref_slice %arg9[%mul3A_0, %dma_wait3A_57] : memref<10112x128xf32, #tpu.memory_space<vmem_shared>> -> memref<632x128xf32, #tpu.memory_space<vmem_shared>>
        tpu.wait_dma2 semaphore(%run_scoped3A_43 : memref<!tpu.dma_semaphore, #tpu.memory_space<semaphore_mem>>) src(%dma_wait3A_58 : memref<632x128xf32, #tpu.memory_space<vmem_shared>>) dst(%dma_wait3A_56 : memref<632x128xf32, #tpu.memory_space<hbm>>)
        tpu.yield
      }) : () -> ()
      %barrier3A_42 = arith.constant 0 : index
      tpu.barrier barrier_id(%barrier3A_42)
    } else {
    }
    %eq3A_12 = arith.constant 0 : i32
    %eq3A_13 = arith.cmpi eq, %arg0, %eq3A_12 : i32
    %convert_element_type3A_14 = arith.extui %eq3A_13 : i1 to i32
    %cond3A_15 = arith.constant 0 : i32
    %cond3A_16 = arith.cmpi ne, %convert_element_type3A_14, %cond3A_15 : i32
    scf.if %cond3A_16 {
      "tpu.region"() ({
        %run_scoped3A_43 = tpu.sem_alloc : memref<!tpu.dma_semaphore, #tpu.memory_space<semaphore_mem>>
        %dma_start3A_44 = arith.constant 0 : i32
        %dma_start3A_45 = tpu.memref_slice %arg9[%mul3A_0, %dma_start3A_44] : memref<10112x128xf32, #tpu.memory_space<vmem_shared>> -> memref<632x128xf32, #tpu.memory_space<vmem_shared>>
        %dma_start3A_46 = arith.constant 0 : i32
        %dma_start3A_47 = tpu.memref_slice %arg4[%mul3A_0, %dma_start3A_46] : memref<10112x128xf32, #tpu.memory_space<hbm>> -> memref<632x128xf32, #tpu.memory_space<hbm>>
        tpu.enqueue_dma source(%dma_start3A_47 : memref<632x128xf32, #tpu.memory_space<hbm>>) target(%dma_start3A_45 : memref<632x128xf32, #tpu.memory_space<vmem_shared>>) target_semaphore(%run_scoped3A_43 : memref<!tpu.dma_semaphore, #tpu.memory_space<semaphore_mem>>)
        %dma_wait3A = arith.constant 0 : i32
        %dma_wait3A_48 = tpu.memref_slice %arg9[%mul3A_0, %dma_wait3A] : memref<10112x128xf32, #tpu.memory_space<vmem_shared>> -> memref<632x128xf32, #tpu.memory_space<vmem_shared>>
        %dma_wait3A_49 = arith.constant 0 : i32
        %dma_wait3A_50 = tpu.memref_slice %arg4[%mul3A_0, %dma_wait3A_49] : memref<10112x128xf32, #tpu.memory_space<hbm>> -> memref<632x128xf32, #tpu.memory_space<hbm>>
        tpu.wait_dma2 semaphore(%run_scoped3A_43 : memref<!tpu.dma_semaphore, #tpu.memory_space<semaphore_mem>>) src(%dma_wait3A_50 : memref<632x128xf32, #tpu.memory_space<hbm>>) dst(%dma_wait3A_48 : memref<632x128xf32, #tpu.memory_space<vmem_shared>>)
        tpu.yield
      }) : () -> ()
      %barrier3A = arith.constant 0 : index
      tpu.barrier barrier_id(%barrier3A)
      %dma_start3A = arith.constant 1 : i32
      %dma_start3A_22 = arith.constant 0 : i32
      %dma_start3A_23 = arith.constant 0 : i32
      %dma_start3A_24 = tpu.memref_slice %arg2[%dma_start3A, %dma_start3A_22, %dma_start3A_23] : memref<4x163840x128xf32, #tpu.memory_space<hbm>> -> memref<1x163840x128xf32, #tpu.memory_space<hbm>>
      %dma_start3A_25 = tpu.memref_squeeze %dma_start3A_24 : memref<1x163840x128xf32, #tpu.memory_space<hbm>> -> memref<163840x128xf32, #tpu.memory_space<hbm>>
      %dma_start3A_26 = arith.constant 0 : i32
      %dma_start3A_27 = tpu.memref_slice %dma_start3A_25[%mul3A_2, %dma_start3A_26] : memref<163840x128xf32, #tpu.memory_space<hbm>> -> memref<128x128xf32, #tpu.memory_space<hbm>>
      %dma_start3A_28 = arith.constant 0 : i32
      %dma_start3A_29 = arith.constant 0 : i32
      %dma_start3A_30 = tpu.memref_slice %arg2[%dma_start3A, %dma_start3A_28, %dma_start3A_29] : memref<4x163840x128xf32, #tpu.memory_space<hbm>> -> memref<1x163840x128xf32, #tpu.memory_space<hbm>>
      %dma_start3A_31 = tpu.memref_squeeze %dma_start3A_30 : memref<1x163840x128xf32, #tpu.memory_space<hbm>> -> memref<163840x128xf32, #tpu.memory_space<hbm>>
      %dma_start3A_32 = arith.constant 0 : i32
      %dma_start3A_33 = tpu.memref_slice %dma_start3A_31[%mul3A_2, %dma_start3A_32] : memref<163840x128xf32, #tpu.memory_space<hbm>> -> memref<128x128xf32, #tpu.memory_space<hbm>>
      tpu.enqueue_dma source(%dma_start3A_33 : memref<128x128xf32, #tpu.memory_space<hbm>>) target(%arg7 : memref<128x128xf32, #tpu.memory_space<vmem>>) target_semaphore(%arg10 : memref<!tpu.dma_semaphore, #tpu.memory_space<semaphore_mem>>)
      %scan3A = arith.constant 1 : i32
      %scan3A_34 = arith.constant 0 : i32
      %scan3A_35 = arith.constant 0 : i32
      %scan3A_36 = arith.constant 40 : i32
      %scan3A_37 = arith.addi %scan3A_35, %scan3A_36 : i32
      %scan3A_38 = arith.constant 1 : i32
      %scan3A_39 = scf.for %scan3A_43 = %scan3A_35 to %scan3A_37 step %scan3A_38 iter_args(%scan3A_44 = %scan3A_34) -> (i32)  : i32 {
        %mul3A_45 = arith.constant 2 : i32
        %mul3A_46 = arith.muli %mul3A_45, %scan3A_43 : i32
        %mul3A_47 = arith.constant 128 : i32
        %mul3A_48 = arith.muli %mul3A_46, %mul3A_47 : i32
        %add3A = arith.addi %mul3A_2, %mul3A_48 : i32
        %add3A_49 = arith.constant 128 : i32
        %add3A_50 = arith.addi %add3A, %add3A_49 : i32
        %dma_start3A_51 = arith.constant 0 : i32
        %dma_start3A_52 = arith.constant 0 : i32
        %dma_start3A_53 = tpu.memref_slice %arg2[%scan3A, %dma_start3A_51, %dma_start3A_52] : memref<4x163840x128xf32, #tpu.memory_space<hbm>> -> memref<1x163840x128xf32, #tpu.memory_space<hbm>>
        %dma_start3A_54 = tpu.memref_squeeze %dma_start3A_53 : memref<1x163840x128xf32, #tpu.memory_space<hbm>> -> memref<163840x128xf32, #tpu.memory_space<hbm>>
        %dma_start3A_55 = arith.constant 0 : i32
        %dma_start3A_56 = tpu.memref_slice %dma_start3A_54[%add3A_50, %dma_start3A_55] : memref<163840x128xf32, #tpu.memory_space<hbm>> -> memref<128x128xf32, #tpu.memory_space<hbm>>
        %dma_start3A_57 = arith.constant 0 : i32
        %dma_start3A_58 = arith.constant 0 : i32
        %dma_start3A_59 = tpu.memref_slice %arg2[%scan3A, %dma_start3A_57, %dma_start3A_58] : memref<4x163840x128xf32, #tpu.memory_space<hbm>> -> memref<1x163840x128xf32, #tpu.memory_space<hbm>>
        %dma_start3A_60 = tpu.memref_squeeze %dma_start3A_59 : memref<1x163840x128xf32, #tpu.memory_space<hbm>> -> memref<163840x128xf32, #tpu.memory_space<hbm>>
        %dma_start3A_61 = arith.constant 0 : i32
        %dma_start3A_62 = tpu.memref_slice %dma_start3A_60[%add3A_50, %dma_start3A_61] : memref<163840x128xf32, #tpu.memory_space<hbm>> -> memref<128x128xf32, #tpu.memory_space<hbm>>
        tpu.enqueue_dma source(%dma_start3A_62 : memref<128x128xf32, #tpu.memory_space<hbm>>) target(%arg8 : memref<128x128xf32, #tpu.memory_space<vmem>>) target_semaphore(%arg11 : memref<!tpu.dma_semaphore, #tpu.memory_space<semaphore_mem>>)
        %dma_wait3A = arith.constant 0 : i32
        %dma_wait3A_63 = arith.constant 0 : i32
        %dma_wait3A_64 = tpu.memref_slice %arg2[%scan3A, %dma_wait3A, %dma_wait3A_63] : memref<4x163840x128xf32, #tpu.memory_space<hbm>> -> memref<1x163840x128xf32, #tpu.memory_space<hbm>>
        %dma_wait3A_65 = tpu.memref_squeeze %dma_wait3A_64 : memref<1x163840x128xf32, #tpu.memory_space<hbm>> -> memref<163840x128xf32, #tpu.memory_space<hbm>>
        %dma_wait3A_66 = arith.constant 0 : i32
        %dma_wait3A_67 = tpu.memref_slice %dma_wait3A_65[%add3A, %dma_wait3A_66] : memref<163840x128xf32, #tpu.memory_space<hbm>> -> memref<128x128xf32, #tpu.memory_space<hbm>>
        %dma_wait3A_68 = arith.constant 0 : i32
        %dma_wait3A_69 = arith.constant 0 : i32
        %dma_wait3A_70 = tpu.memref_slice %arg2[%scan3A, %dma_wait3A_68, %dma_wait3A_69] : memref<4x163840x128xf32, #tpu.memory_space<hbm>> -> memref<1x163840x128xf32, #tpu.memory_space<hbm>>
        %dma_wait3A_71 = tpu.memref_squeeze %dma_wait3A_70 : memref<1x163840x128xf32, #tpu.memory_space<hbm>> -> memref<163840x128xf32, #tpu.memory_space<hbm>>
        %dma_wait3A_72 = arith.constant 0 : i32
        %dma_wait3A_73 = tpu.memref_slice %dma_wait3A_71[%add3A, %dma_wait3A_72] : memref<163840x128xf32, #tpu.memory_space<hbm>> -> memref<128x128xf32, #tpu.memory_space<hbm>>
        tpu.wait_dma2 semaphore(%arg10 : memref<!tpu.dma_semaphore, #tpu.memory_space<semaphore_mem>>) src(%dma_wait3A_73 : memref<128x128xf32, #tpu.memory_space<hbm>>) dst(%arg7 : memref<128x128xf32, #tpu.memory_space<vmem>>)
        %mul3A_74 = arith.constant 2 : i32
        %mul3A_75 = arith.muli %mul3A_74, %scan3A_43 : i32
        "tpu.region"() ({
          %run_scoped3A_99 = tpu.sem_alloc : memref<!tpu.dma_semaphore, #tpu.memory_space<semaphore_mem>>
          %dma_start3A_100 = arith.constant 0 : i32
          %dma_start3A_101 = tpu.memref_slice %arg6[%mul3A_75, %dma_start3A_100] : memref<80x128xi32, #tpu.memory_space<vmem>> -> memref<1x128xi32, #tpu.memory_space<vmem>>
          %dma_start3A_102 = tpu.memref_squeeze %dma_start3A_101 : memref<1x128xi32, #tpu.memory_space<vmem>> -> memref<128xi32, #tpu.memory_space<vmem>>
          %dma_start3A_103 = arith.constant 0 : i32
          %dma_start3A_104 = arith.constant 0 : i32
          %dma_start3A_105 = tpu.memref_slice %arg9[%dma_start3A_103, %dma_start3A_104] : memref<10112x128xf32, #tpu.memory_space<vmem_shared>> -> memref<10112x128xf32, #tpu.memory_space<vmem_shared>>
          tpu.enqueue_indirect_dma source(%arg7 : memref<128x128xf32, #tpu.memory_space<vmem>>) target(%dma_start3A_105 : memref<10112x128xf32, #tpu.memory_space<vmem_shared>>) offsets(%dma_start3A_102 : memref<128xi32, #tpu.memory_space<vmem>>) semaphore(%run_scoped3A_99 : memref<!tpu.dma_semaphore, #tpu.memory_space<semaphore_mem>>) {add = true}
          %dma_wait3A_106 = arith.constant 0 : i32
          %dma_wait3A_107 = tpu.memref_slice %arg6[%mul3A_75, %dma_wait3A_106] : memref<80x128xi32, #tpu.memory_space<vmem>> -> memref<1x128xi32, #tpu.memory_space<vmem>>
          %dma_wait3A_108 = tpu.memref_squeeze %dma_wait3A_107 : memref<1x128xi32, #tpu.memory_space<vmem>> -> memref<128xi32, #tpu.memory_space<vmem>>
          %dma_wait3A_109 = arith.constant 0 : i32
          %dma_wait3A_110 = arith.constant 0 : i32
          %dma_wait3A_111 = tpu.memref_slice %arg9[%dma_wait3A_109, %dma_wait3A_110] : memref<10112x128xf32, #tpu.memory_space<vmem_shared>> -> memref<10112x128xf32, #tpu.memory_space<vmem_shared>>
          tpu.wait_indirect_dma semaphore(%run_scoped3A_99 : memref<!tpu.dma_semaphore, #tpu.memory_space<semaphore_mem>>) src(%arg7 : memref<128x128xf32, #tpu.memory_space<vmem>>) dst(%dma_wait3A_111 : memref<10112x128xf32, #tpu.memory_space<vmem_shared>>)
          tpu.yield
        }) : () -> ()
        %lt3A = arith.constant 39 : i32
        %lt3A_76 = arith.cmpi slt, %scan3A_43, %lt3A : i32
        %convert_element_type3A_77 = arith.extui %lt3A_76 : i1 to i32
        %cond3A_78 = arith.constant 0 : i32
        %cond3A_79 = arith.cmpi ne, %convert_element_type3A_77, %cond3A_78 : i32
        scf.if %cond3A_79 {
          %add3A_99 = arith.constant 256 : i32
          %add3A_100 = arith.addi %add3A, %add3A_99 : i32
          %dma_start3A_101 = arith.constant 0 : i32
          %dma_start3A_102 = arith.constant 0 : i32
          %dma_start3A_103 = tpu.memref_slice %arg2[%scan3A, %dma_start3A_101, %dma_start3A_102] : memref<4x163840x128xf32, #tpu.memory_space<hbm>> -> memref<1x163840x128xf32, #tpu.memory_space<hbm>>
          %dma_start3A_104 = tpu.memref_squeeze %dma_start3A_103 : memref<1x163840x128xf32, #tpu.memory_space<hbm>> -> memref<163840x128xf32, #tpu.memory_space<hbm>>
          %dma_start3A_105 = arith.constant 0 : i32
          %dma_start3A_106 = tpu.memref_slice %dma_start3A_104[%add3A_100, %dma_start3A_105] : memref<163840x128xf32, #tpu.memory_space<hbm>> -> memref<128x128xf32, #tpu.memory_space<hbm>>
          %dma_start3A_107 = arith.constant 0 : i32
          %dma_start3A_108 = arith.constant 0 : i32
          %dma_start3A_109 = tpu.memref_slice %arg2[%scan3A, %dma_start3A_107, %dma_start3A_108] : memref<4x163840x128xf32, #tpu.memory_space<hbm>> -> memref<1x163840x128xf32, #tpu.memory_space<hbm>>
          %dma_start3A_110 = tpu.memref_squeeze %dma_start3A_109 : memref<1x163840x128xf32, #tpu.memory_space<hbm>> -> memref<163840x128xf32, #tpu.memory_space<hbm>>
          %dma_start3A_111 = arith.constant 0 : i32
          %dma_start3A_112 = tpu.memref_slice %dma_start3A_110[%add3A_100, %dma_start3A_111] : memref<163840x128xf32, #tpu.memory_space<hbm>> -> memref<128x128xf32, #tpu.memory_space<hbm>>
          tpu.enqueue_dma source(%dma_start3A_112 : memref<128x128xf32, #tpu.memory_space<hbm>>) target(%arg7 : memref<128x128xf32, #tpu.memory_space<vmem>>) target_semaphore(%arg10 : memref<!tpu.dma_semaphore, #tpu.memory_space<semaphore_mem>>)
        } else {
        }
        %add3A_80 = arith.constant 128 : i32
        %add3A_81 = arith.addi %add3A, %add3A_80 : i32
        %dma_wait3A_82 = arith.constant 0 : i32
        %dma_wait3A_83 = arith.constant 0 : i32
        %dma_wait3A_84 = tpu.memref_slice %arg2[%scan3A, %dma_wait3A_82, %dma_wait3A_83] : memref<4x163840x128xf32, #tpu.memory_space<hbm>> -> memref<1x163840x128xf32, #tpu.memory_space<hbm>>
        %dma_wait3A_85 = tpu.memref_squeeze %dma_wait3A_84 : memref<1x163840x128xf32, #tpu.memory_space<hbm>> -> memref<163840x128xf32, #tpu.memory_space<hbm>>
        %dma_wait3A_86 = arith.constant 0 : i32
        %dma_wait3A_87 = tpu.memref_slice %dma_wait3A_85[%add3A_81, %dma_wait3A_86] : memref<163840x128xf32, #tpu.memory_space<hbm>> -> memref<128x128xf32, #tpu.memory_space<hbm>>
        %dma_wait3A_88 = arith.constant 0 : i32
        %dma_wait3A_89 = arith.constant 0 : i32
        %dma_wait3A_90 = tpu.memref_slice %arg2[%scan3A, %dma_wait3A_88, %dma_wait3A_89] : memref<4x163840x128xf32, #tpu.memory_space<hbm>> -> memref<1x163840x128xf32, #tpu.memory_space<hbm>>
        %dma_wait3A_91 = tpu.memref_squeeze %dma_wait3A_90 : memref<1x163840x128xf32, #tpu.memory_space<hbm>> -> memref<163840x128xf32, #tpu.memory_space<hbm>>
        %dma_wait3A_92 = arith.constant 0 : i32
        %dma_wait3A_93 = tpu.memref_slice %dma_wait3A_91[%add3A_81, %dma_wait3A_92] : memref<163840x128xf32, #tpu.memory_space<hbm>> -> memref<128x128xf32, #tpu.memory_space<hbm>>
        tpu.wait_dma2 semaphore(%arg11 : memref<!tpu.dma_semaphore, #tpu.memory_space<semaphore_mem>>) src(%dma_wait3A_93 : memref<128x128xf32, #tpu.memory_space<hbm>>) dst(%arg8 : memref<128x128xf32, #tpu.memory_space<vmem>>)
        %mul3A_94 = arith.constant 2 : i32
        %mul3A_95 = arith.muli %mul3A_94, %scan3A_43 : i32
        %add3A_96 = arith.constant 1 : i32
        %add3A_97 = arith.addi %mul3A_95, %add3A_96 : i32
        "tpu.region"() ({
          %run_scoped3A_99 = tpu.sem_alloc : memref<!tpu.dma_semaphore, #tpu.memory_space<semaphore_mem>>
          %dma_start3A_100 = arith.constant 0 : i32
          %dma_start3A_101 = tpu.memref_slice %arg6[%add3A_97, %dma_start3A_100] : memref<80x128xi32, #tpu.memory_space<vmem>> -> memref<1x128xi32, #tpu.memory_space<vmem>>
          %dma_start3A_102 = tpu.memref_squeeze %dma_start3A_101 : memref<1x128xi32, #tpu.memory_space<vmem>> -> memref<128xi32, #tpu.memory_space<vmem>>
          %dma_start3A_103 = arith.constant 0 : i32
          %dma_start3A_104 = arith.constant 0 : i32
          %dma_start3A_105 = tpu.memref_slice %arg9[%dma_start3A_103, %dma_start3A_104] : memref<10112x128xf32, #tpu.memory_space<vmem_shared>> -> memref<10112x128xf32, #tpu.memory_space<vmem_shared>>
          tpu.enqueue_indirect_dma source(%arg8 : memref<128x128xf32, #tpu.memory_space<vmem>>) target(%dma_start3A_105 : memref<10112x128xf32, #tpu.memory_space<vmem_shared>>) offsets(%dma_start3A_102 : memref<128xi32, #tpu.memory_space<vmem>>) semaphore(%run_scoped3A_99 : memref<!tpu.dma_semaphore, #tpu.memory_space<semaphore_mem>>) {add = true}
          %dma_wait3A_106 = arith.constant 0 : i32
          %dma_wait3A_107 = tpu.memref_slice %arg6[%add3A_97, %dma_wait3A_106] : memref<80x128xi32, #tpu.memory_space<vmem>> -> memref<1x128xi32, #tpu.memory_space<vmem>>
          %dma_wait3A_108 = tpu.memref_squeeze %dma_wait3A_107 : memref<1x128xi32, #tpu.memory_space<vmem>> -> memref<128xi32, #tpu.memory_space<vmem>>
          %dma_wait3A_109 = arith.constant 0 : i32
          %dma_wait3A_110 = arith.constant 0 : i32
          %dma_wait3A_111 = tpu.memref_slice %arg9[%dma_wait3A_109, %dma_wait3A_110] : memref<10112x128xf32, #tpu.memory_space<vmem_shared>> -> memref<10112x128xf32, #tpu.memory_space<vmem_shared>>
          tpu.wait_indirect_dma semaphore(%run_scoped3A_99 : memref<!tpu.dma_semaphore, #tpu.memory_space<semaphore_mem>>) src(%arg8 : memref<128x128xf32, #tpu.memory_space<vmem>>) dst(%dma_wait3A_111 : memref<10112x128xf32, #tpu.memory_space<vmem_shared>>)
          tpu.yield
        }) : () -> ()
        %scan3A_98 = arith.constant 0 : i32
        scf.yield %scan3A_98 : i32
      }
      %scan3A_40 = arith.constant 40 : i32
      %barrier3A_41 = arith.constant 0 : index
      tpu.barrier barrier_id(%barrier3A_41)
      %run_scoped3A = arith.constant 1 : i32
      "tpu.region"() ({
        %run_scoped3A_43 = tpu.sem_alloc : memref<!tpu.dma_semaphore, #tpu.memory_space<semaphore_mem>>
        %dma_start3A_44 = arith.constant 0 : i32
        %dma_start3A_45 = arith.constant 0 : i32
        %dma_start3A_46 = tpu.memref_slice %arg5[%run_scoped3A, %dma_start3A_44, %dma_start3A_45] : memref<4x10112x128xf32, #tpu.memory_space<hbm>> -> memref<1x10112x128xf32, #tpu.memory_space<hbm>>
        %dma_start3A_47 = tpu.memref_squeeze %dma_start3A_46 : memref<1x10112x128xf32, #tpu.memory_space<hbm>> -> memref<10112x128xf32, #tpu.memory_space<hbm>>
        %dma_start3A_48 = arith.constant 0 : i32
        %dma_start3A_49 = tpu.memref_slice %dma_start3A_47[%mul3A_0, %dma_start3A_48] : memref<10112x128xf32, #tpu.memory_space<hbm>> -> memref<632x128xf32, #tpu.memory_space<hbm>>
        %dma_start3A_50 = arith.constant 0 : i32
        %dma_start3A_51 = tpu.memref_slice %arg9[%mul3A_0, %dma_start3A_50] : memref<10112x128xf32, #tpu.memory_space<vmem_shared>> -> memref<632x128xf32, #tpu.memory_space<vmem_shared>>
        tpu.enqueue_dma source(%dma_start3A_51 : memref<632x128xf32, #tpu.memory_space<vmem_shared>>) target(%dma_start3A_49 : memref<632x128xf32, #tpu.memory_space<hbm>>) target_semaphore(%run_scoped3A_43 : memref<!tpu.dma_semaphore, #tpu.memory_space<semaphore_mem>>)
        %dma_wait3A = arith.constant 0 : i32
        %dma_wait3A_52 = arith.constant 0 : i32
        %dma_wait3A_53 = tpu.memref_slice %arg5[%run_scoped3A, %dma_wait3A, %dma_wait3A_52] : memref<4x10112x128xf32, #tpu.memory_space<hbm>> -> memref<1x10112x128xf32, #tpu.memory_space<hbm>>
        %dma_wait3A_54 = tpu.memref_squeeze %dma_wait3A_53 : memref<1x10112x128xf32, #tpu.memory_space<hbm>> -> memref<10112x128xf32, #tpu.memory_space<hbm>>
        %dma_wait3A_55 = arith.constant 0 : i32
        %dma_wait3A_56 = tpu.memref_slice %dma_wait3A_54[%mul3A_0, %dma_wait3A_55] : memref<10112x128xf32, #tpu.memory_space<hbm>> -> memref<632x128xf32, #tpu.memory_space<hbm>>
        %dma_wait3A_57 = arith.constant 0 : i32
        %dma_wait3A_58 = tpu.memref_slice %arg9[%mul3A_0, %dma_wait3A_57] : memref<10112x128xf32, #tpu.memory_space<vmem_shared>> -> memref<632x128xf32, #tpu.memory_space<vmem_shared>>
        tpu.wait_dma2 semaphore(%run_scoped3A_43 : memref<!tpu.dma_semaphore, #tpu.memory_space<semaphore_mem>>) src(%dma_wait3A_58 : memref<632x128xf32, #tpu.memory_space<vmem_shared>>) dst(%dma_wait3A_56 : memref<632x128xf32, #tpu.memory_space<hbm>>)
        tpu.yield
      }) : () -> ()
      %barrier3A_42 = arith.constant 0 : index
      tpu.barrier barrier_id(%barrier3A_42)
    } else {
    }
    %eq3A_17 = arith.constant 1 : i32
    %eq3A_18 = arith.cmpi eq, %arg0, %eq3A_17 : i32
    %convert_element_type3A_19 = arith.extui %eq3A_18 : i1 to i32
    %cond3A_20 = arith.constant 0 : i32
    %cond3A_21 = arith.cmpi ne, %convert_element_type3A_19, %cond3A_20 : i32
    scf.if %cond3A_21 {
      "tpu.region"() ({
        %run_scoped3A_43 = tpu.sem_alloc : memref<!tpu.dma_semaphore, #tpu.memory_space<semaphore_mem>>
        %dma_start3A_44 = arith.constant 0 : i32
        %dma_start3A_45 = tpu.memref_slice %arg9[%mul3A_0, %dma_start3A_44] : memref<10112x128xf32, #tpu.memory_space<vmem_shared>> -> memref<632x128xf32, #tpu.memory_space<vmem_shared>>
        %dma_start3A_46 = arith.constant 0 : i32
        %dma_start3A_47 = tpu.memref_slice %arg4[%mul3A_0, %dma_start3A_46] : memref<10112x128xf32, #tpu.memory_space<hbm>> -> memref<632x128xf32, #tpu.memory_space<hbm>>
        tpu.enqueue_dma source(%dma_start3A_47 : memref<632x128xf32, #tpu.memory_space<hbm>>) target(%dma_start3A_45 : memref<632x128xf32, #tpu.memory_space<vmem_shared>>) target_semaphore(%run_scoped3A_43 : memref<!tpu.dma_semaphore, #tpu.memory_space<semaphore_mem>>)
        %dma_wait3A = arith.constant 0 : i32
        %dma_wait3A_48 = tpu.memref_slice %arg9[%mul3A_0, %dma_wait3A] : memref<10112x128xf32, #tpu.memory_space<vmem_shared>> -> memref<632x128xf32, #tpu.memory_space<vmem_shared>>
        %dma_wait3A_49 = arith.constant 0 : i32
        %dma_wait3A_50 = tpu.memref_slice %arg4[%mul3A_0, %dma_wait3A_49] : memref<10112x128xf32, #tpu.memory_space<hbm>> -> memref<632x128xf32, #tpu.memory_space<hbm>>
        tpu.wait_dma2 semaphore(%run_scoped3A_43 : memref<!tpu.dma_semaphore, #tpu.memory_space<semaphore_mem>>) src(%dma_wait3A_50 : memref<632x128xf32, #tpu.memory_space<hbm>>) dst(%dma_wait3A_48 : memref<632x128xf32, #tpu.memory_space<vmem_shared>>)
        tpu.yield
      }) : () -> ()
      %barrier3A = arith.constant 0 : index
      tpu.barrier barrier_id(%barrier3A)
      %dma_start3A = arith.constant 3 : i32
      %dma_start3A_22 = arith.constant 0 : i32
      %dma_start3A_23 = arith.constant 0 : i32
      %dma_start3A_24 = tpu.memref_slice %arg2[%dma_start3A, %dma_start3A_22, %dma_start3A_23] : memref<4x163840x128xf32, #tpu.memory_space<hbm>> -> memref<1x163840x128xf32, #tpu.memory_space<hbm>>
      %dma_start3A_25 = tpu.memref_squeeze %dma_start3A_24 : memref<1x163840x128xf32, #tpu.memory_space<hbm>> -> memref<163840x128xf32, #tpu.memory_space<hbm>>
      %dma_start3A_26 = arith.constant 0 : i32
      %dma_start3A_27 = tpu.memref_slice %dma_start3A_25[%mul3A_2, %dma_start3A_26] : memref<163840x128xf32, #tpu.memory_space<hbm>> -> memref<128x128xf32, #tpu.memory_space<hbm>>
      %dma_start3A_28 = arith.constant 0 : i32
      %dma_start3A_29 = arith.constant 0 : i32
      %dma_start3A_30 = tpu.memref_slice %arg2[%dma_start3A, %dma_start3A_28, %dma_start3A_29] : memref<4x163840x128xf32, #tpu.memory_space<hbm>> -> memref<1x163840x128xf32, #tpu.memory_space<hbm>>
      %dma_start3A_31 = tpu.memref_squeeze %dma_start3A_30 : memref<1x163840x128xf32, #tpu.memory_space<hbm>> -> memref<163840x128xf32, #tpu.memory_space<hbm>>
      %dma_start3A_32 = arith.constant 0 : i32
      %dma_start3A_33 = tpu.memref_slice %dma_start3A_31[%mul3A_2, %dma_start3A_32] : memref<163840x128xf32, #tpu.memory_space<hbm>> -> memref<128x128xf32, #tpu.memory_space<hbm>>
      tpu.enqueue_dma source(%dma_start3A_33 : memref<128x128xf32, #tpu.memory_space<hbm>>) target(%arg7 : memref<128x128xf32, #tpu.memory_space<vmem>>) target_semaphore(%arg10 : memref<!tpu.dma_semaphore, #tpu.memory_space<semaphore_mem>>)
      %scan3A = arith.constant 3 : i32
      %scan3A_34 = arith.constant 0 : i32
      %scan3A_35 = arith.constant 0 : i32
      %scan3A_36 = arith.constant 40 : i32
      %scan3A_37 = arith.addi %scan3A_35, %scan3A_36 : i32
      %scan3A_38 = arith.constant 1 : i32
      %scan3A_39 = scf.for %scan3A_43 = %scan3A_35 to %scan3A_37 step %scan3A_38 iter_args(%scan3A_44 = %scan3A_34) -> (i32)  : i32 {
        %mul3A_45 = arith.constant 2 : i32
        %mul3A_46 = arith.muli %mul3A_45, %scan3A_43 : i32
        %mul3A_47 = arith.constant 128 : i32
        %mul3A_48 = arith.muli %mul3A_46, %mul3A_47 : i32
        %add3A = arith.addi %mul3A_2, %mul3A_48 : i32
        %add3A_49 = arith.constant 128 : i32
        %add3A_50 = arith.addi %add3A, %add3A_49 : i32
        %dma_start3A_51 = arith.constant 0 : i32
        %dma_start3A_52 = arith.constant 0 : i32
        %dma_start3A_53 = tpu.memref_slice %arg2[%scan3A, %dma_start3A_51, %dma_start3A_52] : memref<4x163840x128xf32, #tpu.memory_space<hbm>> -> memref<1x163840x128xf32, #tpu.memory_space<hbm>>
        %dma_start3A_54 = tpu.memref_squeeze %dma_start3A_53 : memref<1x163840x128xf32, #tpu.memory_space<hbm>> -> memref<163840x128xf32, #tpu.memory_space<hbm>>
        %dma_start3A_55 = arith.constant 0 : i32
        %dma_start3A_56 = tpu.memref_slice %dma_start3A_54[%add3A_50, %dma_start3A_55] : memref<163840x128xf32, #tpu.memory_space<hbm>> -> memref<128x128xf32, #tpu.memory_space<hbm>>
        %dma_start3A_57 = arith.constant 0 : i32
        %dma_start3A_58 = arith.constant 0 : i32
        %dma_start3A_59 = tpu.memref_slice %arg2[%scan3A, %dma_start3A_57, %dma_start3A_58] : memref<4x163840x128xf32, #tpu.memory_space<hbm>> -> memref<1x163840x128xf32, #tpu.memory_space<hbm>>
        %dma_start3A_60 = tpu.memref_squeeze %dma_start3A_59 : memref<1x163840x128xf32, #tpu.memory_space<hbm>> -> memref<163840x128xf32, #tpu.memory_space<hbm>>
        %dma_start3A_61 = arith.constant 0 : i32
        %dma_start3A_62 = tpu.memref_slice %dma_start3A_60[%add3A_50, %dma_start3A_61] : memref<163840x128xf32, #tpu.memory_space<hbm>> -> memref<128x128xf32, #tpu.memory_space<hbm>>
        tpu.enqueue_dma source(%dma_start3A_62 : memref<128x128xf32, #tpu.memory_space<hbm>>) target(%arg8 : memref<128x128xf32, #tpu.memory_space<vmem>>) target_semaphore(%arg11 : memref<!tpu.dma_semaphore, #tpu.memory_space<semaphore_mem>>)
        %dma_wait3A = arith.constant 0 : i32
        %dma_wait3A_63 = arith.constant 0 : i32
        %dma_wait3A_64 = tpu.memref_slice %arg2[%scan3A, %dma_wait3A, %dma_wait3A_63] : memref<4x163840x128xf32, #tpu.memory_space<hbm>> -> memref<1x163840x128xf32, #tpu.memory_space<hbm>>
        %dma_wait3A_65 = tpu.memref_squeeze %dma_wait3A_64 : memref<1x163840x128xf32, #tpu.memory_space<hbm>> -> memref<163840x128xf32, #tpu.memory_space<hbm>>
        %dma_wait3A_66 = arith.constant 0 : i32
        %dma_wait3A_67 = tpu.memref_slice %dma_wait3A_65[%add3A, %dma_wait3A_66] : memref<163840x128xf32, #tpu.memory_space<hbm>> -> memref<128x128xf32, #tpu.memory_space<hbm>>
        %dma_wait3A_68 = arith.constant 0 : i32
        %dma_wait3A_69 = arith.constant 0 : i32
        %dma_wait3A_70 = tpu.memref_slice %arg2[%scan3A, %dma_wait3A_68, %dma_wait3A_69] : memref<4x163840x128xf32, #tpu.memory_space<hbm>> -> memref<1x163840x128xf32, #tpu.memory_space<hbm>>
        %dma_wait3A_71 = tpu.memref_squeeze %dma_wait3A_70 : memref<1x163840x128xf32, #tpu.memory_space<hbm>> -> memref<163840x128xf32, #tpu.memory_space<hbm>>
        %dma_wait3A_72 = arith.constant 0 : i32
        %dma_wait3A_73 = tpu.memref_slice %dma_wait3A_71[%add3A, %dma_wait3A_72] : memref<163840x128xf32, #tpu.memory_space<hbm>> -> memref<128x128xf32, #tpu.memory_space<hbm>>
        tpu.wait_dma2 semaphore(%arg10 : memref<!tpu.dma_semaphore, #tpu.memory_space<semaphore_mem>>) src(%dma_wait3A_73 : memref<128x128xf32, #tpu.memory_space<hbm>>) dst(%arg7 : memref<128x128xf32, #tpu.memory_space<vmem>>)
        %mul3A_74 = arith.constant 2 : i32
        %mul3A_75 = arith.muli %mul3A_74, %scan3A_43 : i32
        "tpu.region"() ({
          %run_scoped3A_99 = tpu.sem_alloc : memref<!tpu.dma_semaphore, #tpu.memory_space<semaphore_mem>>
          %dma_start3A_100 = arith.constant 0 : i32
          %dma_start3A_101 = tpu.memref_slice %arg6[%mul3A_75, %dma_start3A_100] : memref<80x128xi32, #tpu.memory_space<vmem>> -> memref<1x128xi32, #tpu.memory_space<vmem>>
          %dma_start3A_102 = tpu.memref_squeeze %dma_start3A_101 : memref<1x128xi32, #tpu.memory_space<vmem>> -> memref<128xi32, #tpu.memory_space<vmem>>
          %dma_start3A_103 = arith.constant 0 : i32
          %dma_start3A_104 = arith.constant 0 : i32
          %dma_start3A_105 = tpu.memref_slice %arg9[%dma_start3A_103, %dma_start3A_104] : memref<10112x128xf32, #tpu.memory_space<vmem_shared>> -> memref<10112x128xf32, #tpu.memory_space<vmem_shared>>
          tpu.enqueue_indirect_dma source(%arg7 : memref<128x128xf32, #tpu.memory_space<vmem>>) target(%dma_start3A_105 : memref<10112x128xf32, #tpu.memory_space<vmem_shared>>) offsets(%dma_start3A_102 : memref<128xi32, #tpu.memory_space<vmem>>) semaphore(%run_scoped3A_99 : memref<!tpu.dma_semaphore, #tpu.memory_space<semaphore_mem>>) {add = true}
          %dma_wait3A_106 = arith.constant 0 : i32
          %dma_wait3A_107 = tpu.memref_slice %arg6[%mul3A_75, %dma_wait3A_106] : memref<80x128xi32, #tpu.memory_space<vmem>> -> memref<1x128xi32, #tpu.memory_space<vmem>>
          %dma_wait3A_108 = tpu.memref_squeeze %dma_wait3A_107 : memref<1x128xi32, #tpu.memory_space<vmem>> -> memref<128xi32, #tpu.memory_space<vmem>>
          %dma_wait3A_109 = arith.constant 0 : i32
          %dma_wait3A_110 = arith.constant 0 : i32
          %dma_wait3A_111 = tpu.memref_slice %arg9[%dma_wait3A_109, %dma_wait3A_110] : memref<10112x128xf32, #tpu.memory_space<vmem_shared>> -> memref<10112x128xf32, #tpu.memory_space<vmem_shared>>
          tpu.wait_indirect_dma semaphore(%run_scoped3A_99 : memref<!tpu.dma_semaphore, #tpu.memory_space<semaphore_mem>>) src(%arg7 : memref<128x128xf32, #tpu.memory_space<vmem>>) dst(%dma_wait3A_111 : memref<10112x128xf32, #tpu.memory_space<vmem_shared>>)
          tpu.yield
        }) : () -> ()
        %lt3A = arith.constant 39 : i32
        %lt3A_76 = arith.cmpi slt, %scan3A_43, %lt3A : i32
        %convert_element_type3A_77 = arith.extui %lt3A_76 : i1 to i32
        %cond3A_78 = arith.constant 0 : i32
        %cond3A_79 = arith.cmpi ne, %convert_element_type3A_77, %cond3A_78 : i32
        scf.if %cond3A_79 {
          %add3A_99 = arith.constant 256 : i32
          %add3A_100 = arith.addi %add3A, %add3A_99 : i32
          %dma_start3A_101 = arith.constant 0 : i32
          %dma_start3A_102 = arith.constant 0 : i32
          %dma_start3A_103 = tpu.memref_slice %arg2[%scan3A, %dma_start3A_101, %dma_start3A_102] : memref<4x163840x128xf32, #tpu.memory_space<hbm>> -> memref<1x163840x128xf32, #tpu.memory_space<hbm>>
          %dma_start3A_104 = tpu.memref_squeeze %dma_start3A_103 : memref<1x163840x128xf32, #tpu.memory_space<hbm>> -> memref<163840x128xf32, #tpu.memory_space<hbm>>
          %dma_start3A_105 = arith.constant 0 : i32
          %dma_start3A_106 = tpu.memref_slice %dma_start3A_104[%add3A_100, %dma_start3A_105] : memref<163840x128xf32, #tpu.memory_space<hbm>> -> memref<128x128xf32, #tpu.memory_space<hbm>>
          %dma_start3A_107 = arith.constant 0 : i32
          %dma_start3A_108 = arith.constant 0 : i32
          %dma_start3A_109 = tpu.memref_slice %arg2[%scan3A, %dma_start3A_107, %dma_start3A_108] : memref<4x163840x128xf32, #tpu.memory_space<hbm>> -> memref<1x163840x128xf32, #tpu.memory_space<hbm>>
          %dma_start3A_110 = tpu.memref_squeeze %dma_start3A_109 : memref<1x163840x128xf32, #tpu.memory_space<hbm>> -> memref<163840x128xf32, #tpu.memory_space<hbm>>
          %dma_start3A_111 = arith.constant 0 : i32
          %dma_start3A_112 = tpu.memref_slice %dma_start3A_110[%add3A_100, %dma_start3A_111] : memref<163840x128xf32, #tpu.memory_space<hbm>> -> memref<128x128xf32, #tpu.memory_space<hbm>>
          tpu.enqueue_dma source(%dma_start3A_112 : memref<128x128xf32, #tpu.memory_space<hbm>>) target(%arg7 : memref<128x128xf32, #tpu.memory_space<vmem>>) target_semaphore(%arg10 : memref<!tpu.dma_semaphore, #tpu.memory_space<semaphore_mem>>)
        } else {
        }
        %add3A_80 = arith.constant 128 : i32
        %add3A_81 = arith.addi %add3A, %add3A_80 : i32
        %dma_wait3A_82 = arith.constant 0 : i32
        %dma_wait3A_83 = arith.constant 0 : i32
        %dma_wait3A_84 = tpu.memref_slice %arg2[%scan3A, %dma_wait3A_82, %dma_wait3A_83] : memref<4x163840x128xf32, #tpu.memory_space<hbm>> -> memref<1x163840x128xf32, #tpu.memory_space<hbm>>
        %dma_wait3A_85 = tpu.memref_squeeze %dma_wait3A_84 : memref<1x163840x128xf32, #tpu.memory_space<hbm>> -> memref<163840x128xf32, #tpu.memory_space<hbm>>
        %dma_wait3A_86 = arith.constant 0 : i32
        %dma_wait3A_87 = tpu.memref_slice %dma_wait3A_85[%add3A_81, %dma_wait3A_86] : memref<163840x128xf32, #tpu.memory_space<hbm>> -> memref<128x128xf32, #tpu.memory_space<hbm>>
        %dma_wait3A_88 = arith.constant 0 : i32
        %dma_wait3A_89 = arith.constant 0 : i32
        %dma_wait3A_90 = tpu.memref_slice %arg2[%scan3A, %dma_wait3A_88, %dma_wait3A_89] : memref<4x163840x128xf32, #tpu.memory_space<hbm>> -> memref<1x163840x128xf32, #tpu.memory_space<hbm>>
        %dma_wait3A_91 = tpu.memref_squeeze %dma_wait3A_90 : memref<1x163840x128xf32, #tpu.memory_space<hbm>> -> memref<163840x128xf32, #tpu.memory_space<hbm>>
        %dma_wait3A_92 = arith.constant 0 : i32
        %dma_wait3A_93 = tpu.memref_slice %dma_wait3A_91[%add3A_81, %dma_wait3A_92] : memref<163840x128xf32, #tpu.memory_space<hbm>> -> memref<128x128xf32, #tpu.memory_space<hbm>>
        tpu.wait_dma2 semaphore(%arg11 : memref<!tpu.dma_semaphore, #tpu.memory_space<semaphore_mem>>) src(%dma_wait3A_93 : memref<128x128xf32, #tpu.memory_space<hbm>>) dst(%arg8 : memref<128x128xf32, #tpu.memory_space<vmem>>)
        %mul3A_94 = arith.constant 2 : i32
        %mul3A_95 = arith.muli %mul3A_94, %scan3A_43 : i32
        %add3A_96 = arith.constant 1 : i32
        %add3A_97 = arith.addi %mul3A_95, %add3A_96 : i32
        "tpu.region"() ({
          %run_scoped3A_99 = tpu.sem_alloc : memref<!tpu.dma_semaphore, #tpu.memory_space<semaphore_mem>>
          %dma_start3A_100 = arith.constant 0 : i32
          %dma_start3A_101 = tpu.memref_slice %arg6[%add3A_97, %dma_start3A_100] : memref<80x128xi32, #tpu.memory_space<vmem>> -> memref<1x128xi32, #tpu.memory_space<vmem>>
          %dma_start3A_102 = tpu.memref_squeeze %dma_start3A_101 : memref<1x128xi32, #tpu.memory_space<vmem>> -> memref<128xi32, #tpu.memory_space<vmem>>
          %dma_start3A_103 = arith.constant 0 : i32
          %dma_start3A_104 = arith.constant 0 : i32
          %dma_start3A_105 = tpu.memref_slice %arg9[%dma_start3A_103, %dma_start3A_104] : memref<10112x128xf32, #tpu.memory_space<vmem_shared>> -> memref<10112x128xf32, #tpu.memory_space<vmem_shared>>
          tpu.enqueue_indirect_dma source(%arg8 : memref<128x128xf32, #tpu.memory_space<vmem>>) target(%dma_start3A_105 : memref<10112x128xf32, #tpu.memory_space<vmem_shared>>) offsets(%dma_start3A_102 : memref<128xi32, #tpu.memory_space<vmem>>) semaphore(%run_scoped3A_99 : memref<!tpu.dma_semaphore, #tpu.memory_space<semaphore_mem>>) {add = true}
          %dma_wait3A_106 = arith.constant 0 : i32
          %dma_wait3A_107 = tpu.memref_slice %arg6[%add3A_97, %dma_wait3A_106] : memref<80x128xi32, #tpu.memory_space<vmem>> -> memref<1x128xi32, #tpu.memory_space<vmem>>
          %dma_wait3A_108 = tpu.memref_squeeze %dma_wait3A_107 : memref<1x128xi32, #tpu.memory_space<vmem>> -> memref<128xi32, #tpu.memory_space<vmem>>
          %dma_wait3A_109 = arith.constant 0 : i32
          %dma_wait3A_110 = arith.constant 0 : i32
          %dma_wait3A_111 = tpu.memref_slice %arg9[%dma_wait3A_109, %dma_wait3A_110] : memref<10112x128xf32, #tpu.memory_space<vmem_shared>> -> memref<10112x128xf32, #tpu.memory_space<vmem_shared>>
          tpu.wait_indirect_dma semaphore(%run_scoped3A_99 : memref<!tpu.dma_semaphore, #tpu.memory_space<semaphore_mem>>) src(%arg8 : memref<128x128xf32, #tpu.memory_space<vmem>>) dst(%dma_wait3A_111 : memref<10112x128xf32, #tpu.memory_space<vmem_shared>>)
          tpu.yield
        }) : () -> ()
        %scan3A_98 = arith.constant 0 : i32
        scf.yield %scan3A_98 : i32
      }
      %scan3A_40 = arith.constant 40 : i32
      %barrier3A_41 = arith.constant 0 : index
      tpu.barrier barrier_id(%barrier3A_41)
      %run_scoped3A = arith.constant 3 : i32
      "tpu.region"() ({
        %run_scoped3A_43 = tpu.sem_alloc : memref<!tpu.dma_semaphore, #tpu.memory_space<semaphore_mem>>
        %dma_start3A_44 = arith.constant 0 : i32
        %dma_start3A_45 = arith.constant 0 : i32
        %dma_start3A_46 = tpu.memref_slice %arg5[%run_scoped3A, %dma_start3A_44, %dma_start3A_45] : memref<4x10112x128xf32, #tpu.memory_space<hbm>> -> memref<1x10112x128xf32, #tpu.memory_space<hbm>>
        %dma_start3A_47 = tpu.memref_squeeze %dma_start3A_46 : memref<1x10112x128xf32, #tpu.memory_space<hbm>> -> memref<10112x128xf32, #tpu.memory_space<hbm>>
        %dma_start3A_48 = arith.constant 0 : i32
        %dma_start3A_49 = tpu.memref_slice %dma_start3A_47[%mul3A_0, %dma_start3A_48] : memref<10112x128xf32, #tpu.memory_space<hbm>> -> memref<632x128xf32, #tpu.memory_space<hbm>>
        %dma_start3A_50 = arith.constant 0 : i32
        %dma_start3A_51 = tpu.memref_slice %arg9[%mul3A_0, %dma_start3A_50] : memref<10112x128xf32, #tpu.memory_space<vmem_shared>> -> memref<632x128xf32, #tpu.memory_space<vmem_shared>>
        tpu.enqueue_dma source(%dma_start3A_51 : memref<632x128xf32, #tpu.memory_space<vmem_shared>>) target(%dma_start3A_49 : memref<632x128xf32, #tpu.memory_space<hbm>>) target_semaphore(%run_scoped3A_43 : memref<!tpu.dma_semaphore, #tpu.memory_space<semaphore_mem>>)
        %dma_wait3A = arith.constant 0 : i32
        %dma_wait3A_52 = arith.constant 0 : i32
        %dma_wait3A_53 = tpu.memref_slice %arg5[%run_scoped3A, %dma_wait3A, %dma_wait3A_52] : memref<4x10112x128xf32, #tpu.memory_space<hbm>> -> memref<1x10112x128xf32, #tpu.memory_space<hbm>>
        %dma_wait3A_54 = tpu.memref_squeeze %dma_wait3A_53 : memref<1x10112x128xf32, #tpu.memory_space<hbm>> -> memref<10112x128xf32, #tpu.memory_space<hbm>>
        %dma_wait3A_55 = arith.constant 0 : i32
        %dma_wait3A_56 = tpu.memref_slice %dma_wait3A_54[%mul3A_0, %dma_wait3A_55] : memref<10112x128xf32, #tpu.memory_space<hbm>> -> memref<632x128xf32, #tpu.memory_space<hbm>>
        %dma_wait3A_57 = arith.constant 0 : i32
        %dma_wait3A_58 = tpu.memref_slice %arg9[%mul3A_0, %dma_wait3A_57] : memref<10112x128xf32, #tpu.memory_space<vmem_shared>> -> memref<632x128xf32, #tpu.memory_space<vmem_shared>>
        tpu.wait_dma2 semaphore(%run_scoped3A_43 : memref<!tpu.dma_semaphore, #tpu.memory_space<semaphore_mem>>) src(%dma_wait3A_58 : memref<632x128xf32, #tpu.memory_space<vmem_shared>>) dst(%dma_wait3A_56 : memref<632x128xf32, #tpu.memory_space<hbm>>)
        tpu.yield
      }) : () -> ()
      %barrier3A_42 = arith.constant 0 : index
      tpu.barrier barrier_id(%barrier3A_42)
    } else {
    }
    return
  }
}

module attributes {stable_mosaic.version = 14 : i64} {
  func.func @body(%arg0: i32, %arg1: memref<4x2000x128xf32, #tpu.memory_space<vmem>>, %arg2: memref<2000x128xf32, #tpu.memory_space<vmem>>, %arg3: memref<128x128xf32, #tpu.memory_space<vmem>>, %arg4: memref<1x128xf32, #tpu.memory_space<vmem>>, %arg5: memref<128x128xf32, #tpu.memory_space<vmem>>, %arg6: memref<1x128xf32, #tpu.memory_space<vmem>>, %arg7: memref<1x128xf32, #tpu.memory_space<vmem>>, %arg8: memref<2000x128xf32, #tpu.memory_space<vmem>>, %arg9: memref<3x2000x128xf32, #tpu.memory_space<vmem>>) attributes {dimension_semantics = [#tpu.dimension_semantics<arbitrary>], iteration_bounds = array<i64: 5>, scalar_prefetch = 0 : i64, scratch_operands = 0 : i64, tpu.core_type = #tpu.core_type<tc>, window_params = [{transform_indices = @transform_0, window_bounds = array<i64: 4, 2000, 128>}, {transform_indices = @transform_1, window_bounds = array<i64: 2000, 128>}, {pipeline_mode = #tpu.pipeline_mode<synchronous>, transform_indices = @transform_2, window_bounds = array<i64: 128, 128>}, {pipeline_mode = #tpu.pipeline_mode<synchronous>, transform_indices = @transform_3, window_bounds = array<i64: 1, 128>}, {pipeline_mode = #tpu.pipeline_mode<synchronous>, transform_indices = @transform_4, window_bounds = array<i64: 128, 128>}, {pipeline_mode = #tpu.pipeline_mode<synchronous>, transform_indices = @transform_5, window_bounds = array<i64: 1, 128>}, {pipeline_mode = #tpu.pipeline_mode<synchronous>, transform_indices = @transform_6, window_bounds = array<i64: 1, 128>}, {transform_indices = @transform_7, window_bounds = array<i64: 2000, 128>}, {transform_indices = @transform_8, window_bounds = array<i64: 3, 2000, 128>}]} {
    %get3A = arith.constant 0 : index
    %get3A_0 = arith.constant 0 : index
    %get3A_1 = arith.constant 0 : index
    %get3A_2 = vector.load %arg1[%get3A, %get3A_0, %get3A_1] : memref<4x2000x128xf32, #tpu.memory_space<vmem>>, vector<1x2000x128xf32>
    %get3A_3 = vector.shape_cast %get3A_2 : vector<1x2000x128xf32> to vector<2000x128xf32>
    %mul3A = arith.constant 6.250000e-02 : f32
    %mul3A_4 = vector.broadcast %mul3A : f32 to vector<2000x128xf32>
    %mul3A_5 = arith.mulf %get3A_3, %mul3A_4 : vector<2000x128xf32>
    %get3A_6 = arith.constant 0 : index
    %get3A_7 = arith.constant 0 : index
    %get3A_8 = vector.load %arg3[%get3A_6, %get3A_7] : memref<128x128xf32, #tpu.memory_space<vmem>>, vector<128x128xf32>
    %dot_general3A = arith.constant dense<0.000000e+00> : vector<2000x128xf32>
    %dot_general3A_9 = tpu.matmul %mul3A_5, %get3A_8, %dot_general3A {dimension_numbers = #tpu.dot_dimension_numbers<[1], [0], [0], [1], [0, 0, 1, 1], [], []>, transpose_lhs_hint = false} : vector<2000x128xf32>, vector<128x128xf32>, vector<2000x128xf32> -> vector<2000x128xf32>
    %get3A_10 = arith.constant 0 : index
    %get3A_11 = arith.constant 0 : index
    %get3A_12 = vector.load %arg4[%get3A_10, %get3A_11] : memref<1x128xf32, #tpu.memory_space<vmem>>, vector<1x128xf32>
    %add3A = vector.broadcast %get3A_12 : vector<1x128xf32> to vector<2000x128xf32>
    %add3A_13 = arith.addf %dot_general3A_9, %add3A : vector<2000x128xf32>
    %get3A_14 = arith.constant 0 : index
    %get3A_15 = arith.constant 0 : index
    %get3A_16 = vector.load %arg2[%get3A_14, %get3A_15] : memref<2000x128xf32, #tpu.memory_space<vmem>>, vector<2000x128xf32>
    %logistic3A = arith.negf %add3A_13 : vector<2000x128xf32>
    %logistic3A_17 = math.exp %logistic3A : vector<2000x128xf32>
    %logistic3A_18 = arith.constant 1.000000e+00 : f32
    %logistic3A_19 = vector.broadcast %logistic3A_18 : f32 to vector<2000x128xf32>
    %logistic3A_20 = arith.addf %logistic3A_19, %logistic3A_17 : vector<2000x128xf32>
    %logistic3A_21 = arith.divf %logistic3A_19, %logistic3A_20 : vector<2000x128xf32>
    %mul3A_22 = arith.mulf %add3A_13, %logistic3A_21 : vector<2000x128xf32>
    %add3A_23 = arith.addf %get3A_16, %mul3A_22 : vector<2000x128xf32>
    %swap3A = arith.constant 0 : index
    %swap3A_24 = arith.constant 0 : index
    %swap3A_25 = vector.load %arg8[%swap3A, %swap3A_24] : memref<2000x128xf32, #tpu.memory_space<vmem>>, vector<2000x128xf32>
    tpu.vector_store %arg8[%swap3A, %swap3A_24], %add3A_23 {strides = array<i32>} : memref<2000x128xf32, #tpu.memory_space<vmem>>, vector<2000x128xf32>,
    %get3A_26 = arith.constant 0 : index
    %get3A_27 = arith.constant 0 : index
    %get3A_28 = vector.load %arg5[%get3A_26, %get3A_27] : memref<128x128xf32, #tpu.memory_space<vmem>>, vector<128x128xf32>
    %get3A_29 = arith.constant 1 : index
    %get3A_30 = arith.constant 0 : index
    %get3A_31 = arith.constant 0 : index
    %get3A_32 = vector.load %arg1[%get3A_29, %get3A_30, %get3A_31] : memref<4x2000x128xf32, #tpu.memory_space<vmem>>, vector<1x2000x128xf32>
    %get3A_33 = vector.shape_cast %get3A_32 : vector<1x2000x128xf32> to vector<2000x128xf32>
    %mul3A_34 = arith.constant 6.250000e-02 : f32
    %mul3A_35 = vector.broadcast %mul3A_34 : f32 to vector<2000x128xf32>
    %mul3A_36 = arith.mulf %get3A_33, %mul3A_35 : vector<2000x128xf32>
    %dot_general3A_37 = arith.constant dense<0.000000e+00> : vector<2000x128xf32>
    %dot_general3A_38 = tpu.matmul %mul3A_36, %get3A_28, %dot_general3A_37 {dimension_numbers = #tpu.dot_dimension_numbers<[1], [0], [0], [1], [0, 0, 1, 1], [], []>, transpose_lhs_hint = false} : vector<2000x128xf32>, vector<128x128xf32>, vector<2000x128xf32> -> vector<2000x128xf32>
    %get3A_39 = arith.constant 2 : index
    %get3A_40 = arith.constant 0 : index
    %get3A_41 = arith.constant 0 : index
    %get3A_42 = vector.load %arg1[%get3A_39, %get3A_40, %get3A_41] : memref<4x2000x128xf32, #tpu.memory_space<vmem>>, vector<1x2000x128xf32>
    %get3A_43 = vector.shape_cast %get3A_42 : vector<1x2000x128xf32> to vector<2000x128xf32>
    %mul3A_44 = arith.constant 6.250000e-02 : f32
    %mul3A_45 = vector.broadcast %mul3A_44 : f32 to vector<2000x128xf32>
    %mul3A_46 = arith.mulf %get3A_43, %mul3A_45 : vector<2000x128xf32>
    %dot_general3A_47 = arith.constant dense<0.000000e+00> : vector<2000x128xf32>
    %dot_general3A_48 = tpu.matmul %mul3A_46, %get3A_28, %dot_general3A_47 {dimension_numbers = #tpu.dot_dimension_numbers<[1], [0], [0], [1], [0, 0, 1, 1], [], []>, transpose_lhs_hint = false} : vector<2000x128xf32>, vector<128x128xf32>, vector<2000x128xf32> -> vector<2000x128xf32>
    %get3A_49 = arith.constant 3 : index
    %get3A_50 = arith.constant 0 : index
    %get3A_51 = arith.constant 0 : index
    %get3A_52 = vector.load %arg1[%get3A_49, %get3A_50, %get3A_51] : memref<4x2000x128xf32, #tpu.memory_space<vmem>>, vector<1x2000x128xf32>
    %get3A_53 = vector.shape_cast %get3A_52 : vector<1x2000x128xf32> to vector<2000x128xf32>
    %mul3A_54 = arith.constant 6.250000e-02 : f32
    %mul3A_55 = vector.broadcast %mul3A_54 : f32 to vector<2000x128xf32>
    %mul3A_56 = arith.mulf %get3A_53, %mul3A_55 : vector<2000x128xf32>
    %dot_general3A_57 = arith.constant dense<0.000000e+00> : vector<2000x128xf32>
    %dot_general3A_58 = tpu.matmul %mul3A_56, %get3A_28, %dot_general3A_57 {dimension_numbers = #tpu.dot_dimension_numbers<[1], [0], [0], [1], [0, 0, 1, 1], [], []>, transpose_lhs_hint = false} : vector<2000x128xf32>, vector<128x128xf32>, vector<2000x128xf32> -> vector<2000x128xf32>
    %mul3A_59 = arith.mulf %dot_general3A_38, %dot_general3A_38 : vector<2000x128xf32>
    %mul3A_60 = arith.mulf %dot_general3A_48, %dot_general3A_48 : vector<2000x128xf32>
    %add3A_61 = arith.addf %mul3A_59, %mul3A_60 : vector<2000x128xf32>
    %mul3A_62 = arith.mulf %dot_general3A_58, %dot_general3A_58 : vector<2000x128xf32>
    %add3A_63 = arith.addf %add3A_61, %mul3A_62 : vector<2000x128xf32>
    %add3A_64 = arith.constant 9.99999971E-10 : f32
    %add3A_65 = vector.broadcast %add3A_64 : f32 to vector<2000x128xf32>
    %add3A_66 = arith.addf %add3A_63, %add3A_65 : vector<2000x128xf32>
    %sqrt3A = math.sqrt %add3A_66 : vector<2000x128xf32>
    %get3A_67 = arith.constant 0 : index
    %get3A_68 = arith.constant 0 : index
    %get3A_69 = vector.load %arg6[%get3A_67, %get3A_68] : memref<1x128xf32, #tpu.memory_space<vmem>>, vector<1x128xf32>
    %mul3A_70 = vector.broadcast %get3A_69 : vector<1x128xf32> to vector<2000x128xf32>
    %mul3A_71 = arith.mulf %sqrt3A, %mul3A_70 : vector<2000x128xf32>
    %get3A_72 = arith.constant 0 : index
    %get3A_73 = arith.constant 0 : index
    %get3A_74 = vector.load %arg7[%get3A_72, %get3A_73] : memref<1x128xf32, #tpu.memory_space<vmem>>, vector<1x128xf32>
    %add3A_75 = vector.broadcast %get3A_74 : vector<1x128xf32> to vector<2000x128xf32>
    %add3A_76 = arith.addf %mul3A_71, %add3A_75 : vector<2000x128xf32>
    %logistic3A_77 = arith.negf %add3A_76 : vector<2000x128xf32>
    %logistic3A_78 = math.exp %logistic3A_77 : vector<2000x128xf32>
    %logistic3A_79 = arith.constant 1.000000e+00 : f32
    %logistic3A_80 = vector.broadcast %logistic3A_79 : f32 to vector<2000x128xf32>
    %logistic3A_81 = arith.addf %logistic3A_80, %logistic3A_78 : vector<2000x128xf32>
    %logistic3A_82 = arith.divf %logistic3A_80, %logistic3A_81 : vector<2000x128xf32>
    %mul3A_83 = arith.mulf %dot_general3A_38, %logistic3A_82 : vector<2000x128xf32>
    %swap3A_84 = arith.constant 0 : index
    %swap3A_85 = arith.constant 0 : index
    %swap3A_86 = arith.constant 0 : index
    %swap3A_87 = vector.load %arg9[%swap3A_84, %swap3A_85, %swap3A_86] : memref<3x2000x128xf32, #tpu.memory_space<vmem>>, vector<1x2000x128xf32>
    %swap3A_88 = vector.shape_cast %swap3A_87 : vector<1x2000x128xf32> to vector<2000x128xf32>
    %swap3A_89 = vector.shape_cast %mul3A_83 : vector<2000x128xf32> to vector<1x2000x128xf32>
    tpu.vector_store %arg9[%swap3A_84, %swap3A_85, %swap3A_86], %swap3A_89 {strides = array<i32>} : memref<3x2000x128xf32, #tpu.memory_space<vmem>>, vector<1x2000x128xf32>,
    %mul3A_90 = arith.mulf %dot_general3A_48, %logistic3A_82 : vector<2000x128xf32>
    %swap3A_91 = arith.constant 1 : index
    %swap3A_92 = arith.constant 0 : index
    %swap3A_93 = arith.constant 0 : index
    %swap3A_94 = vector.load %arg9[%swap3A_91, %swap3A_92, %swap3A_93] : memref<3x2000x128xf32, #tpu.memory_space<vmem>>, vector<1x2000x128xf32>
    %swap3A_95 = vector.shape_cast %swap3A_94 : vector<1x2000x128xf32> to vector<2000x128xf32>
    %swap3A_96 = vector.shape_cast %mul3A_90 : vector<2000x128xf32> to vector<1x2000x128xf32>
    tpu.vector_store %arg9[%swap3A_91, %swap3A_92, %swap3A_93], %swap3A_96 {strides = array<i32>} : memref<3x2000x128xf32, #tpu.memory_space<vmem>>, vector<1x2000x128xf32>,
    %mul3A_97 = arith.mulf %dot_general3A_58, %logistic3A_82 : vector<2000x128xf32>
    %swap3A_98 = arith.constant 2 : index
    %swap3A_99 = arith.constant 0 : index
    %swap3A_100 = arith.constant 0 : index
    %swap3A_101 = vector.load %arg9[%swap3A_98, %swap3A_99, %swap3A_100] : memref<3x2000x128xf32, #tpu.memory_space<vmem>>, vector<1x2000x128xf32>
    %swap3A_102 = vector.shape_cast %swap3A_101 : vector<1x2000x128xf32> to vector<2000x128xf32>
    %swap3A_103 = vector.shape_cast %mul3A_97 : vector<2000x128xf32> to vector<1x2000x128xf32>
    tpu.vector_store %arg9[%swap3A_98, %swap3A_99, %swap3A_100], %swap3A_103 {strides = array<i32>} : memref<3x2000x128xf32, #tpu.memory_space<vmem>>, vector<1x2000x128xf32>,
    return
  }
  func.func @transform_0(%arg0: i32) -> (i32, i32, i32) {
    %c0_i32 = arith.constant 0 : i32
    %c0_i32_0 = arith.constant 0 : i32
    %c0_i32_1 = arith.constant 0 : i32
    return %c0_i32, %arg0, %c0_i32_0 : i32, i32, i32
  }
  func.func @transform_1(%arg0: i32) -> (i32, i32) {
    %c0_i32 = arith.constant 0 : i32
    %c0_i32_0 = arith.constant 0 : i32
    return %arg0, %c0_i32 : i32, i32
  }
  func.func @transform_2(%arg0: i32) -> (i32, i32) {
    %c0_i32 = arith.constant 0 : i32
    %c0_i32_0 = arith.constant 0 : i32
    %c0_i32_1 = arith.constant 0 : i32
    return %c0_i32, %c0_i32_0 : i32, i32
  }
  func.func @transform_3(%arg0: i32) -> (i32, i32) {
    %c0_i32 = arith.constant 0 : i32
    %c0_i32_0 = arith.constant 0 : i32
    %c0_i32_1 = arith.constant 0 : i32
    return %c0_i32, %c0_i32_0 : i32, i32
  }
  func.func @transform_4(%arg0: i32) -> (i32, i32) {
    %c0_i32 = arith.constant 0 : i32
    %c0_i32_0 = arith.constant 0 : i32
    %c0_i32_1 = arith.constant 0 : i32
    return %c0_i32, %c0_i32_0 : i32, i32
  }
  func.func @transform_5(%arg0: i32) -> (i32, i32) {
    %c0_i32 = arith.constant 0 : i32
    %c0_i32_0 = arith.constant 0 : i32
    %c0_i32_1 = arith.constant 0 : i32
    return %c0_i32, %c0_i32_0 : i32, i32
  }
  func.func @transform_6(%arg0: i32) -> (i32, i32) {
    %c0_i32 = arith.constant 0 : i32
    %c0_i32_0 = arith.constant 0 : i32
    %c0_i32_1 = arith.constant 0 : i32
    return %c0_i32, %c0_i32_0 : i32, i32
  }
  func.func @transform_7(%arg0: i32) -> (i32, i32) {
    %c0_i32 = arith.constant 0 : i32
    %c0_i32_0 = arith.constant 0 : i32
    return %arg0, %c0_i32 : i32, i32
  }
  func.func @transform_8(%arg0: i32) -> (i32, i32, i32) {
    %c0_i32 = arith.constant 0 : i32
    %c0_i32_0 = arith.constant 0 : i32
    %c0_i32_1 = arith.constant 0 : i32
    return %c0_i32, %arg0, %c0_i32_0 : i32, i32, i32
  }
}

module attributes {stable_mosaic.version = 14 : i64} {
  func.func @body(%arg0: i32, %arg1: memref<3x4096xf32, #tpu.memory_space<vmem>>, %arg2: memref<4096x128xf32, #tpu.memory_space<vmem>>, %arg3: memref<64x8xf32, #tpu.memory_space<vmem>>, %arg4: memref<64x1xf32, #tpu.memory_space<vmem>>, %arg5: memref<64x256xf32, #tpu.memory_space<vmem>>, %arg6: memref<1x256xf32, #tpu.memory_space<vmem>>, %arg7: memref<4x4096x128xf32, #tpu.memory_space<vmem>>) attributes {dimension_semantics = [#tpu.dimension_semantics<arbitrary>], iteration_bounds = array<i64: 40>, scalar_prefetch = 0 : i64, scratch_operands = 0 : i64, tpu.core_type = #tpu.core_type<tc>, window_params = [{transform_indices = @transform_0, window_bounds = array<i64: 3, 4096>}, {transform_indices = @transform_1, window_bounds = array<i64: 4096, 128>}, {pipeline_mode = #tpu.pipeline_mode<synchronous>, transform_indices = @transform_2, window_bounds = array<i64: 64, 8>}, {pipeline_mode = #tpu.pipeline_mode<synchronous>, transform_indices = @transform_3, window_bounds = array<i64: 64, 1>}, {pipeline_mode = #tpu.pipeline_mode<synchronous>, transform_indices = @transform_4, window_bounds = array<i64: 64, 256>}, {pipeline_mode = #tpu.pipeline_mode<synchronous>, transform_indices = @transform_5, window_bounds = array<i64: 1, 256>}, {transform_indices = @transform_6, window_bounds = array<i64: 4, 4096, 128>}]} {
    %get3A = arith.constant 0 : index
    %get3A_0 = arith.constant 0 : index
    %get3A_1 = vector.load %arg1[%get3A, %get3A_0] : memref<3x4096xf32, #tpu.memory_space<vmem>>, vector<3x4096xf32>
    %slice3A = vector.extract_strided_slice %get3A_1 {offsets = [0, 0], sizes = [1, 4096], strides = [1, 1]} : vector<3x4096xf32> to vector<1x4096xf32>
    %slice3A_2 = vector.extract_strided_slice %get3A_1 {offsets = [1, 0], sizes = [1, 4096], strides = [1, 1]} : vector<3x4096xf32> to vector<1x4096xf32>
    %slice3A_3 = vector.extract_strided_slice %get3A_1 {offsets = [2, 0], sizes = [1, 4096], strides = [1, 1]} : vector<3x4096xf32> to vector<1x4096xf32>
    %mul3A = arith.mulf %slice3A, %slice3A : vector<1x4096xf32>
    %mul3A_4 = arith.mulf %slice3A_2, %slice3A_2 : vector<1x4096xf32>
    %add3A = arith.addf %mul3A, %mul3A_4 : vector<1x4096xf32>
    %mul3A_5 = arith.mulf %slice3A_3, %slice3A_3 : vector<1x4096xf32>
    %add3A_6 = arith.addf %add3A, %mul3A_5 : vector<1x4096xf32>
    %sqrt3A = math.sqrt %add3A_6 : vector<1x4096xf32>
    %add3A_7 = arith.constant 9.99999971E-10 : f32
    %add3A_8 = vector.broadcast %add3A_7 : f32 to vector<1x4096xf32>
    %add3A_9 = arith.addf %sqrt3A, %add3A_8 : vector<1x4096xf32>
    %div3A = arith.constant 1.000000e+00 : f32
    %div3A_10 = vector.broadcast %div3A : f32 to vector<1x4096xf32>
    %div3A_11 = arith.divf %div3A_10, %add3A_9 : vector<1x4096xf32>
    %jit3A = arith.constant 0.000000e+00 : f32
    %jit3A_12 = arith.constant 5.000000e+00 : f32
    %max3A = vector.broadcast %jit3A : f32 to vector<1x4096xf32>
    %max3A_13 = arith.maximumf %max3A, %sqrt3A : vector<1x4096xf32>
    %min3A = vector.broadcast %jit3A_12 : f32 to vector<1x4096xf32>
    %min3A_14 = arith.minimumf %min3A, %max3A_13 : vector<1x4096xf32>
    %mul3A_15 = arith.constant 3.14159274 : f32
    %mul3A_16 = vector.broadcast %mul3A_15 : f32 to vector<1x4096xf32>
    %mul3A_17 = arith.mulf %mul3A_16, %min3A_14 : vector<1x4096xf32>
    %div3A_18 = arith.constant 5.000000e+00 : f32
    %div3A_19 = vector.broadcast %div3A_18 : f32 to vector<1x4096xf32>
    %div3A_20 = arith.divf %mul3A_17, %div3A_19 : vector<1x4096xf32>
    %cos3A = math.cos %div3A_20 : vector<1x4096xf32>
    %add3A_21 = arith.constant 1.000000e+00 : f32
    %add3A_22 = vector.broadcast %add3A_21 : f32 to vector<1x4096xf32>
    %add3A_23 = arith.addf %cos3A, %add3A_22 : vector<1x4096xf32>
    %mul3A_24 = arith.constant 5.000000e-01 : f32
    %mul3A_25 = vector.broadcast %mul3A_24 : f32 to vector<1x4096xf32>
    %mul3A_26 = arith.mulf %mul3A_25, %add3A_23 : vector<1x4096xf32>
    %iota3A = tpu.iota {dimensions = array<i32: 0>} : vector<8x1xi32>
    %convert_element_type3A = arith.sitofp %iota3A : vector<8x1xi32> to vector<8x1xf32>
    %mul3A_27 = arith.constant 0.714285731 : f32
    %mul3A_28 = vector.broadcast %mul3A_27 : f32 to vector<8x1xf32>
    %mul3A_29 = arith.mulf %convert_element_type3A, %mul3A_28 : vector<8x1xf32>
    %sub3A = vector.broadcast %sqrt3A : vector<1x4096xf32> to vector<8x4096xf32>
    %sub3A_30 = vector.broadcast %mul3A_29 : vector<8x1xf32> to vector<8x4096xf32>
    %sub3A_31 = arith.subf %sub3A, %sub3A_30 : vector<8x4096xf32>
    %integer_pow3A = arith.mulf %sub3A_31, %sub3A_31 : vector<8x4096xf32>
    %neg3A = arith.constant 0.000000e+00 : f32
    %neg3A_32 = vector.broadcast %neg3A : f32 to vector<8x4096xf32>
    %neg3A_33 = arith.subf %neg3A_32, %integer_pow3A : vector<8x4096xf32>
    %div3A_34 = arith.constant 5.000000e-01 : f32
    %div3A_35 = vector.broadcast %div3A_34 : f32 to vector<8x4096xf32>
    %div3A_36 = arith.divf %neg3A_33, %div3A_35 : vector<8x4096xf32>
    %exp3A = math.exp %div3A_36 : vector<8x4096xf32>
    %get3A_37 = arith.constant 0 : index
    %get3A_38 = arith.constant 0 : index
    %get3A_39 = vector.load %arg3[%get3A_37, %get3A_38] : memref<64x8xf32, #tpu.memory_space<vmem>>, vector<64x8xf32>
    %dot_general3A = arith.constant dense<0.000000e+00> : vector<64x4096xf32>
    %dot_general3A_40 = tpu.matmul %get3A_39, %exp3A, %dot_general3A {dimension_numbers = #tpu.dot_dimension_numbers<[1], [0], [0], [1], [0, 0, 1, 1], [], []>, transpose_lhs_hint = false} : vector<64x8xf32>, vector<8x4096xf32>, vector<64x4096xf32> -> vector<64x4096xf32>
    %get3A_41 = arith.constant 0 : index
    %get3A_42 = arith.constant 0 : index
    %get3A_43 = vector.load %arg4[%get3A_41, %get3A_42] : memref<64x1xf32, #tpu.memory_space<vmem>>, vector<64x1xf32>
    %add3A_44 = vector.broadcast %get3A_43 : vector<64x1xf32> to vector<64x4096xf32>
    %add3A_45 = arith.addf %dot_general3A_40, %add3A_44 : vector<64x4096xf32>
    %logistic3A = arith.negf %add3A_45 : vector<64x4096xf32>
    %logistic3A_46 = math.exp %logistic3A : vector<64x4096xf32>
    %logistic3A_47 = arith.constant 1.000000e+00 : f32
    %logistic3A_48 = vector.broadcast %logistic3A_47 : f32 to vector<64x4096xf32>
    %logistic3A_49 = arith.addf %logistic3A_48, %logistic3A_46 : vector<64x4096xf32>
    %logistic3A_50 = arith.divf %logistic3A_48, %logistic3A_49 : vector<64x4096xf32>
    %mul3A_51 = arith.mulf %add3A_45, %logistic3A_50 : vector<64x4096xf32>
    %get3A_52 = arith.constant 0 : index
    %get3A_53 = arith.constant 0 : index
    %get3A_54 = vector.load %arg5[%get3A_52, %get3A_53] : memref<64x256xf32, #tpu.memory_space<vmem>>, vector<64x256xf32>
    %dot_general3A_55 = arith.constant dense<0.000000e+00> : vector<4096x256xf32>
    %dot_general3A_56 = tpu.matmul %mul3A_51, %get3A_54, %dot_general3A_55 {dimension_numbers = #tpu.dot_dimension_numbers<[0], [0], [1], [1], [0, 1, 1, 1], [], []>, transpose_lhs_hint = false} : vector<64x4096xf32>, vector<64x256xf32>, vector<4096x256xf32> -> vector<4096x256xf32>
    %get3A_57 = arith.constant 0 : index
    %get3A_58 = arith.constant 0 : index
    %get3A_59 = vector.load %arg6[%get3A_57, %get3A_58] : memref<1x256xf32, #tpu.memory_space<vmem>>, vector<1x256xf32>
    %add3A_60 = vector.broadcast %get3A_59 : vector<1x256xf32> to vector<4096x256xf32>
    %add3A_61 = arith.addf %dot_general3A_56, %add3A_60 : vector<4096x256xf32>
    %mul3A_62 = arith.mulf %slice3A, %div3A_11 : vector<1x4096xf32>
    %mul3A_63 = arith.mulf %mul3A_62, %mul3A_26 : vector<1x4096xf32>
    %mul3A_64 = arith.mulf %slice3A_2, %div3A_11 : vector<1x4096xf32>
    %mul3A_65 = arith.mulf %mul3A_64, %mul3A_26 : vector<1x4096xf32>
    %mul3A_66 = arith.mulf %slice3A_3, %div3A_11 : vector<1x4096xf32>
    %mul3A_67 = arith.mulf %mul3A_66, %mul3A_26 : vector<1x4096xf32>
    %broadcast_in_dim3A = arith.constant 0.000000e+00 : f32
    %broadcast_in_dim3A_68 = vector.broadcast %broadcast_in_dim3A : f32 to vector<4x4096xf32>
    %concatenate3A = tpu.concatenate %mul3A_26, %mul3A_63, %mul3A_65, %mul3A_67, %broadcast_in_dim3A_68 in 0 : vector<1x4096xf32>, vector<1x4096xf32>, vector<1x4096xf32>, vector<1x4096xf32>, vector<4x4096xf32> -> vector<8x4096xf32>
    %transpose3A = tpu.transpose %concatenate3A, [1, 0] : vector<8x4096xf32> -> vector<4096x8xf32>
    %get3A_69 = arith.constant 0 : index
    %get3A_70 = arith.constant 0 : index
    %get3A_71 = vector.load %arg2[%get3A_69, %get3A_70] : memref<4096x128xf32, #tpu.memory_space<vmem>>, vector<4096x128xf32>
    %slice3A_72 = vector.extract_strided_slice %add3A_61 {offsets = [0, 0], sizes = [4096, 128], strides = [1, 1]} : vector<4096x256xf32> to vector<4096x128xf32>
    %mul3A_73 = arith.mulf %slice3A_72, %get3A_71 : vector<4096x128xf32>
    %slice3A_74 = vector.extract_strided_slice %add3A_61 {offsets = [0, 128], sizes = [4096, 128], strides = [1, 1]} : vector<4096x256xf32> to vector<4096x128xf32>
    %mul3A_75 = arith.mulf %slice3A_74, %get3A_71 : vector<4096x128xf32>
    %slice3A_76 = vector.extract_strided_slice %transpose3A {offsets = [0, 0], sizes = [4096, 1], strides = [1, 1]} : vector<4096x8xf32> to vector<4096x1xf32>
    %mul3A_77 = vector.broadcast %slice3A_76 : vector<4096x1xf32> to vector<4096x128xf32>
    %mul3A_78 = arith.mulf %mul3A_73, %mul3A_77 : vector<4096x128xf32>
    %swap3A = arith.constant 0 : index
    %swap3A_79 = arith.constant 0 : index
    %swap3A_80 = arith.constant 0 : index
    %swap3A_81 = vector.load %arg7[%swap3A, %swap3A_79, %swap3A_80] : memref<4x4096x128xf32, #tpu.memory_space<vmem>>, vector<1x4096x128xf32>
    %swap3A_82 = vector.shape_cast %swap3A_81 : vector<1x4096x128xf32> to vector<4096x128xf32>
    %swap3A_83 = vector.shape_cast %mul3A_78 : vector<4096x128xf32> to vector<1x4096x128xf32>
    tpu.vector_store %arg7[%swap3A, %swap3A_79, %swap3A_80], %swap3A_83 {strides = array<i32>} : memref<4x4096x128xf32, #tpu.memory_space<vmem>>, vector<1x4096x128xf32>,
    %slice3A_84 = vector.extract_strided_slice %transpose3A {offsets = [0, 1], sizes = [4096, 1], strides = [1, 1]} : vector<4096x8xf32> to vector<4096x1xf32>
    %mul3A_85 = vector.broadcast %slice3A_84 : vector<4096x1xf32> to vector<4096x128xf32>
    %mul3A_86 = arith.mulf %mul3A_75, %mul3A_85 : vector<4096x128xf32>
    %swap3A_87 = arith.constant 1 : index
    %swap3A_88 = arith.constant 0 : index
    %swap3A_89 = arith.constant 0 : index
    %swap3A_90 = vector.load %arg7[%swap3A_87, %swap3A_88, %swap3A_89] : memref<4x4096x128xf32, #tpu.memory_space<vmem>>, vector<1x4096x128xf32>
    %swap3A_91 = vector.shape_cast %swap3A_90 : vector<1x4096x128xf32> to vector<4096x128xf32>
    %swap3A_92 = vector.shape_cast %mul3A_86 : vector<4096x128xf32> to vector<1x4096x128xf32>
    tpu.vector_store %arg7[%swap3A_87, %swap3A_88, %swap3A_89], %swap3A_92 {strides = array<i32>} : memref<4x4096x128xf32, #tpu.memory_space<vmem>>, vector<1x4096x128xf32>,
    %slice3A_93 = vector.extract_strided_slice %transpose3A {offsets = [0, 2], sizes = [4096, 1], strides = [1, 1]} : vector<4096x8xf32> to vector<4096x1xf32>
    %mul3A_94 = vector.broadcast %slice3A_93 : vector<4096x1xf32> to vector<4096x128xf32>
    %mul3A_95 = arith.mulf %mul3A_75, %mul3A_94 : vector<4096x128xf32>
    %swap3A_96 = arith.constant 2 : index
    %swap3A_97 = arith.constant 0 : index
    %swap3A_98 = arith.constant 0 : index
    %swap3A_99 = vector.load %arg7[%swap3A_96, %swap3A_97, %swap3A_98] : memref<4x4096x128xf32, #tpu.memory_space<vmem>>, vector<1x4096x128xf32>
    %swap3A_100 = vector.shape_cast %swap3A_99 : vector<1x4096x128xf32> to vector<4096x128xf32>
    %swap3A_101 = vector.shape_cast %mul3A_95 : vector<4096x128xf32> to vector<1x4096x128xf32>
    tpu.vector_store %arg7[%swap3A_96, %swap3A_97, %swap3A_98], %swap3A_101 {strides = array<i32>} : memref<4x4096x128xf32, #tpu.memory_space<vmem>>, vector<1x4096x128xf32>,
    %slice3A_102 = vector.extract_strided_slice %transpose3A {offsets = [0, 3], sizes = [4096, 1], strides = [1, 1]} : vector<4096x8xf32> to vector<4096x1xf32>
    %mul3A_103 = vector.broadcast %slice3A_102 : vector<4096x1xf32> to vector<4096x128xf32>
    %mul3A_104 = arith.mulf %mul3A_75, %mul3A_103 : vector<4096x128xf32>
    %swap3A_105 = arith.constant 3 : index
    %swap3A_106 = arith.constant 0 : index
    %swap3A_107 = arith.constant 0 : index
    %swap3A_108 = vector.load %arg7[%swap3A_105, %swap3A_106, %swap3A_107] : memref<4x4096x128xf32, #tpu.memory_space<vmem>>, vector<1x4096x128xf32>
    %swap3A_109 = vector.shape_cast %swap3A_108 : vector<1x4096x128xf32> to vector<4096x128xf32>
    %swap3A_110 = vector.shape_cast %mul3A_104 : vector<4096x128xf32> to vector<1x4096x128xf32>
    tpu.vector_store %arg7[%swap3A_105, %swap3A_106, %swap3A_107], %swap3A_110 {strides = array<i32>} : memref<4x4096x128xf32, #tpu.memory_space<vmem>>, vector<1x4096x128xf32>,
    return
  }
  func.func @transform_0(%arg0: i32) -> (i32, i32) {
    %add3A = arith.constant 0 : i32
    %add3A_0 = arith.addi %arg0, %add3A : i32
    %c0_i32 = arith.constant 0 : i32
    %c0_i32_1 = arith.constant 0 : i32
    return %c0_i32, %add3A_0 : i32, i32
  }
  func.func @transform_1(%arg0: i32) -> (i32, i32) {
    %add3A = arith.constant 0 : i32
    %add3A_0 = arith.addi %arg0, %add3A : i32
    %c0_i32 = arith.constant 0 : i32
    %c0_i32_1 = arith.constant 0 : i32
    return %add3A_0, %c0_i32 : i32, i32
  }
  func.func @transform_2(%arg0: i32) -> (i32, i32) {
    %c0_i32 = arith.constant 0 : i32
    %c0_i32_0 = arith.constant 0 : i32
    %c0_i32_1 = arith.constant 0 : i32
    return %c0_i32, %c0_i32_0 : i32, i32
  }
  func.func @transform_3(%arg0: i32) -> (i32, i32) {
    %c0_i32 = arith.constant 0 : i32
    %c0_i32_0 = arith.constant 0 : i32
    %c0_i32_1 = arith.constant 0 : i32
    return %c0_i32, %c0_i32_0 : i32, i32
  }
  func.func @transform_4(%arg0: i32) -> (i32, i32) {
    %c0_i32 = arith.constant 0 : i32
    %c0_i32_0 = arith.constant 0 : i32
    %c0_i32_1 = arith.constant 0 : i32
    return %c0_i32, %c0_i32_0 : i32, i32
  }
  func.func @transform_5(%arg0: i32) -> (i32, i32) {
    %c0_i32 = arith.constant 0 : i32
    %c0_i32_0 = arith.constant 0 : i32
    %c0_i32_1 = arith.constant 0 : i32
    return %c0_i32, %c0_i32_0 : i32, i32
  }
  func.func @transform_6(%arg0: i32) -> (i32, i32, i32) {
    %c0_i32 = arith.constant 0 : i32
    %c0_i32_0 = arith.constant 0 : i32
    %c0_i32_1 = arith.constant 0 : i32
    return %c0_i32, %arg0, %c0_i32_0 : i32, i32, i32
  }
}

</mosaic_0001>

<sc_bundles>
// kernel: kernel.6.cloned.1.call-start
scs
__scs_entry_jumppad:
0x0: {  	(pc) =	sbr.rel $0x88, $3  }
0x1: {  	(tag) =	ssettag $0x0;
	lr =	simm.s32 $0x1  }
0x2: {  	[smem:$0x3F94] =	sst lr;
	_ =	strace $0xD0000000  }
0x3: {  	_ = 	snop  }
0x4: {  	_ = 	snop  }
0x5: {  	_ = 	snop  }
0x6: {  	_ = 	snop  }
0x7: {  	_ = 	snop  }
__scs_overlays_trampoline_lowered:
0x8: {  	[smem:$0x3FA3] =	sst s0  }
0x9: {  	[smem:$0x3FA4] =	sst s1  }
0xa: {  	[smem:$0x3FA5] =	sst s2  }
0xb: {  	[smem:$0x3FA6] =	sst s3  }
0xc: {  	[smem:$0x3FA7] =	sst s4  }
0xd: {  	[smem:$0x3FA8] =	sst s5  }
0xe: {  	[smem:$0x3FA9] =	sst s6  }
0xf: {  	[smem:$0x3FAA] =	sst s7  }
0x10: {  	[smem:$0x3FAB] =	sst s8  }
0x11: {  	[smem:$0x3FAC] =	sst s9;
	s0 =	simm.s32 @!p0 $0x0  }
0x12: {  	s1 =	sld [smem:$0x3F92];
	s0 =	simm.s32 @p0 $0x1  }
0x13: {  	[smem:$0x3FAD] =	sst s0;
	s0 =	simm.s32 @!p1 $0x0  }
0x14: {  	s2 =	sld [smem:$0x3F91];
	s0 =	simm.s32 @p1 $0x1  }
0x15: {  	[smem:$0x3FAE] =	sst s0;
	s0 =	simm.s32 @!p2 $0x0  }
0x16: {  	s3 =	sld [smem:$0x3FDB];
	s0 =	simm.s32 @p2 $0x1  }
0x17: {  	s4 =	simm.s32 $0x1BF5;
	[smem:$0x3FB0] =	sst s0  }
0x18: {  	s0 =	sld [smem:$0x3F93];
	_ =	swait.ge [sflag:s4], $0x0  }
0x19: {  	s7 =	sld [smem:$0x3F94]  }
0x1a: {  	s8 =	sadd.s32 $0xFFFFE003, lr  }
0x1b: {  	s9 =	sadd.s32 $0xFFFFFEF7, lr;
	s5 =	simm.s32 $0xFFFFFFFF;
	p2 =	slt.u32 s8, $0xFFFFF086  }
0x1c: {  	p1 =	slt.u32 s9, $0xF7A;
	s5 =	simm.s32 @!p2 $0x0  }
0x1d: {  	s5 =	simm.s32 @p1 $0x1;
	p0 =	seq.s32 s7, s2  }
0x1e: {  	s7 =	smul.u32 @!p0 $0xF7A, s2;
	p2 =	seq.s32 @!p0 s5, $0x0  }
0x1f: {  	s9 =	smul.u32 $0xF7A, s1;
	s8 =	simm.s32 @!p0 $0x1BF5;
	p2 =	por !p2, p0  }
0x20: {  	[sflag:s8] =	ssyncset.s32 @!p0 $0xFFFFF086;
	s6 =	sadd.s32 @!p0 s3, s7;
	s7 =	simm.s32 @!p0 $0x108  }
0x21: {  	s3 =	sadd.s32 s3, s9;
	s6 =	sadd.s32 @!p0 $0x88, s6;
	s7 =	simm.s32 @p2 $0x1082  }
0x22: {  	[simem:s7], [sflag:s8] =	dma.local @!p0 [hbm:s6], $0xF7A  }
0x23: {  	s9 =	sor.u32 $0xD0000000, s2;
	s6 =	simm.s32 $0x108;
	_ =	swait.ge @!p0 [sflag:s8], $0x0  }
0x24: {  	s3 =	sadd.s32 $0x88, s3;
	s6 =	simm.s32 @!p1 $0x1082;
	[sflag:s4] =	ssyncset.s32 $0xFFFFF086  }
0x25: {  	[simem:s6], [sflag:s4] =	dma.local [hbm:s3], $0xF7A  }
0x26: {  	[smem:$0x3F94] =	sst s1;
	(tag) =	ssettag s2;
	_ =	strace s9  }
0x27: {  	s1 =	sld [smem:$0x3FA4]  }
0x28: {  	s2 =	sld [smem:$0x3FA5]  }
0x29: {  	s4 =	sld [smem:$0x3FA7]  }
0x2a: {  	p0 =	seq.s32 s5, $0x0;
	s5 =	sld [smem:$0x3FA8]  }
0x2b: {  	s6 =	sld [smem:$0x3FA9]  }
0x2c: {  	s7 =	sld [smem:$0x3FAA]  }
0x2d: {  	s3 =	simm.s32 $0x108;
	s8 =	sld [smem:$0x3FAB]  }
0x2e: {  	s3 =	simm.s32 @!p0 $0x1082;
	s9 =	sld [smem:$0x3FAC]  }
0x2f: {  	lr =	sadd.s32 s0, s3;
	s0 =	sld [smem:$0x3FA3]  }
0x30: {  	s3 =	sld [smem:$0x3FA6]  }
0x31: {  	[smem:$0x3FAF] =	sst s10  }
0x32: {  	s10 =	sld [smem:$0x3FAD];
	_ =	sdelay $0x3  }
0x33: {  	p0 =	seq.s32 s10, $0x1;
	s10 =	sld [smem:$0x3FAF];
	_ =	sdelay $0x3  }
0x34: {  	[smem:$0x3FAF] =	sst s10  }
0x35: {  	s10 =	sld [smem:$0x3FAE];
	_ =	sdelay $0x3  }
0x36: {  	p1 =	seq.s32 s10, $0x1;
	s10 =	sld [smem:$0x3FAF];
	_ =	sdelay $0x3  }
0x37: {  	[smem:$0x3FAF] =	sst s10  }
0x38: {  	s10 =	sld [smem:$0x3FB0]  }
0x39: {  	_ = 	snop;
	(pc) =	sbr.ind lr, $3  }
0x3a: {  	_ = 	snop  }
0x3b: {  	_ = 	snop  }
0x3c: {  	p2 =	seq.s32 s10, $0x1;
	s10 =	sld [smem:$0x3FAF]  }
0x3d: {  	_ =	shalt  }
0x3e: {  	_ =	shalt  }
0x3f: {  	_ =	shalt  }
0x40: {  	_ =	shalt  }
0x41: {  	_ =	shalt  }
0x42: {  	_ =	shalt  }
0x43: {  	_ =	shalt  }
0x44: {  	_ =	shalt  }
0x45: {  	_ =	shalt  }
0x46: {  	_ =	shalt  }
0x47: {  	_ =	shalt  }
0x48: {  	_ =	shalt  }
0x49: {  	_ =	shalt  }
0x4a: {  	_ =	shalt  }
0x4b: {  	_ =	shalt  }
0x4c: {  	_ =	shalt  }
0x4d: {  	_ =	shalt  }
0x4e: {  	_ =	shalt  }
0x4f: {  	_ =	shalt  }
0x50: {  	_ =	shalt  }
0x51: {  	_ =	shalt  }
0x52: {  	_ =	shalt  }
0x53: {  	_ =	shalt  }
0x54: {  	_ =	shalt  }
0x55: {  	_ =	shalt  }
0x56: {  	_ =	shalt  }
0x57: {  	_ =	shalt  }
0x58: {  	_ =	shalt  }
0x59: {  	_ =	shalt  }
0x5a: {  	_ =	shalt  }
0x5b: {  	_ =	shalt  }
0x5c: {  	_ =	shalt  }
0x5d: {  	_ =	shalt  }
0x5e: {  	_ =	shalt  }
0x5f: {  	_ =	shalt  }
0x60: {  	_ =	shalt  }
0x61: {  	_ =	shalt  }
0x62: {  	_ =	shalt  }
0x63: {  	_ =	shalt  }
0x64: {  	_ =	shalt  }
0x65: {  	_ =	shalt  }
0x66: {  	_ =	shalt  }
0x67: {  	_ =	shalt  }
0x68: {  	_ =	shalt  }
0x69: {  	_ =	shalt  }
0x6a: {  	_ =	shalt  }
0x6b: {  	_ =	shalt  }
0x6c: {  	_ =	shalt  }
0x6d: {  	_ =	shalt  }
0x6e: {  	_ =	shalt  }
0x6f: {  	_ =	shalt  }
0x70: {  	_ =	shalt  }
0x71: {  	_ =	shalt  }
0x72: {  	_ =	shalt  }
0x73: {  	_ =	shalt  }
0x74: {  	_ =	shalt  }
0x75: {  	_ =	shalt  }
0x76: {  	_ =	shalt  }
0x77: {  	_ =	shalt  }
0x78: {  	_ =	shalt  }
0x79: {  	_ =	shalt  }
0x7a: {  	_ =	shalt  }
0x7b: {  	_ =	shalt  }
0x7c: {  	_ =	shalt  }
0x7d: {  	_ =	shalt  }
0x7e: {  	_ =	shalt  }
0x7f: {  	_ =	shalt  }
0x80: {  	_ =	shalt  }
0x81: {  	_ =	shalt  }
0x82: {  	_ =	shalt  }
0x83: {  	_ =	shalt  }
0x84: {  	_ =	shalt  }
0x85: {  	_ =	shalt  }
0x86: {  	_ =	shalt  }
0x87: {  	_ =	shalt  }
.Lfunc_end0:
.L_simem_size_0:
called_computation_lowered:
.L_overlay_start_0:
0x88: {  	s2 =	sld [smem:$0x3FD9]  }
0x89: {  	s3 =	sld [smem:$0x3FFE];
	_ =	sdelay $0x1  }
0x8a: {  	s1 =	srdreg.scid  }
0x8b: {  	s0 =	sand.u32 $0x1, s1  }
0x8c: {  	s14 =	sshll.u32 s0, $0xA;
	s2 =	sadd.s32 s3, s2  }
0x8d: {  	s2 =	sadd.s32 s2, s14  }
0x8e: {  	[smem:$0x3FBB] =	sst s2  }
0x8f: {  	_ = 	snop  }
0x90: {  	s2 =	sld [smem:$0x3FD0];
	_ =	sdelay $0x2  }
0x91: {  	s4 =	simm.s32 $0xA;
	s5 =	simm.s32 $0x10;
	s15 =	sld [smem:$0x3FC9]  }
0x92: {  	[smem:s5], [sflag:s4] =	dma.local [hbm:s2], $0x1  }
0x93: {  	_ =	swait.eq [sflag:s4], $0x1  }
0x94: {  	[sflag:s4] =	ssyncset.done $0x0  }
0x95: {  	[sflag:s4] =	ssyncadd.s32 $0xFFFFFFFF  }
0x96: {  	s16 =	sld [smem:$0x10];
	(tm) =	ssettm $0x1  }
0x97: {  	s17 =	sld [smem:$0x3FFB];
	_ =	sdelay $0x3  }
0x98: {  	_ =	strace s17  }
0x99: {  	s4 =	sld [smem:$0x3FFC];
	_ =	sdelay $0x3  }
0x9a: {  	_ =	strace s4  }
0x9b: {  	s4 =	sld [smem:$0x3FFD];
	_ =	sdelay $0x3  }
0x9c: {  	_ =	strace s4  }
0x9d: {  	_ =	strace $0x8FFFFFFF  }
0x9e: {  	s18 =	sld [smem:$0x3FDB];
	_ =	sdelay $0x1  }
0x9f: {  	s19 =	simm.s32 $_scs_section_size  }
0xa0: {  	s6 =	simm.s32 $_size__tile_overlayer_lowered;
	s7 =	simm.s32 $_tile_overlayer_lowered  }
0xa1: {  	s22 =	simm.s32 $0x1BFF;
	s21 =	sshll.u32 s7, $0x1;
	s4 =	sadd.s32 s19, s18  }
0xa2: {  	s8 =	simm.s32 $0x0;
	s20 =	sshll.u32 s6, $0x1;
	s6 =	sadd.s32 s21, s4  }
0xa3: {  	[timem:s8], [sflag:s22] =	dma.local [hbm:s6], s20  }
0xa4: {  	_ =	swait.ge [sflag:s22], s20  }
0xa5: {  	s5 =	ssub.s32 $0x0, s20;
	[sflag:s22] =	ssyncset.done $0x0  }
0xa6: {  	[sflag:s22] =	ssyncadd.s32 s5;
	_ =	sdelay $0x1  }
0xa7: {  	s23 =	simm.s32 $0x1B8B  }
0xa8: {  	_ =	swait.ge [sflag:s23], $0x1  }
0xa9: {  	[sflag:s23] =	ssyncset.done $0x0  }
0xaa: {  	s25 =	simm.s32 $0x1B8E;
	s24 =	sld [smem:$0x3FFE];
	[sflag:s23] =	ssyncadd.s32 $0xFFFFFFFF  }
0xab: {  	s26 =	simm.s32 $execute0_lowered;
	[smem:$0x3FD2] =	sst s25  }
0xac: {  	s6 =	sshll.u32 s26, $0x1;
	_ =	strace $0x80000046;
	[dreg:$0x1] =	wrdreg $0xFFFFFFFF  }
0xad: {  	s28 =	simm.s32 $_size_execute0_lowered;
	s4 =	sadd.s32 s4, s6;
	[dreg:$0x0] =	wrdreg $0x0  }
0xae: {  	s6 =	sshll.u32 s28, $0x1;
	[dreg:$0x2] =	wrdreg s4  }
0xaf: {  	[dreg:$0x3] =	wrdreg s6  }
0xb0: {  	[dreg:$0x4] =	wrdreg $0xC0  }
0xb1: {  	_ =	task [dreg:s8], $0x5FFFF  }
0xb2: {  	[dreg:$0x1] =	wrdreg $0xFFFFFFFF  }
0xb3: {  	[dreg:$0x0] =	wrdreg $0x60  }
0xb4: {  	[dreg:$0x2] =	wrdreg s15  }
0xb5: {  	[dreg:$0x3] =	wrdreg s16  }
0xb6: {  	[dreg:$0x4] =	wrdreg s24  }
0xb7: {  	[dreg:$0x5] =	wrdreg $0x94000  }
0xb8: {  	[dreg:$0x6] =	wrdreg $0x9  }
0xb9: {  	_ =	task.clear_ibuf [dreg:s8], $0x7FFFF;
	_ =	strace $0x90000046  }
0xba: {  	s29 =	simm.s32 $0x9;
	_ =	strace $0x80000048  }
0xbb: {  	_ =	swait.ge [sflag:s29], $0x1  }
0xbc: {  	[sflag:s29] =	ssyncadd.s32 $0xFFFFFFFF  }
0xbd: {  	_ =	strace $0x90000048  }
0xbe: {  	_ =	sfence  }
0xbf: {  	s30 =	sld [smem:$0x0];
	_ =	sdelay $0x2  }
0xc0: {  	s31 =	sshll.u32 s1, $0xD;
	s1 =	sshrl.u32 s1, $0x2  }
0xc1: {  	s3 =	sand.u32 $0x4000, s31;
	s1 =	sadd.s32 s1, s30  }
0xc2: {  	s0 =	sor.u32 s3, s0;
	s1 =	sshll.u32 s1, $0x11  }
0xc3: {  	s0 =	sor.u32 s1, s0  }
0xc4: {  	s0 =	sadd.s32 $0x8F2B, s0  }
0xc5: {  	[sflag:s0] =	ssyncadd.remote.s32 $0x1  }
0xc6: {  	_ =	sfence.sel $0xFFFF  }
0xc7: {  	[dreg:$0x0] =	wrdreg $0xFFFFFFFF;
	(pc) =	sbr.abs _section_cstart, $3  }
0xc8: {  	[dreg:$0x1] =	wrdreg $0xFFFFFFFF  }
0xc9: {  	_ =	task.clear_ibuf [dreg:s8], $0x2FFFF;
	_ =	strace $0x9FFFFFFF  }
0xca: {  	(tm) =	ssettm $0x7FFFFFFF  }
0xcb: {  	_ =	shalt  }
tec
execute0_lowered:
.L_overlay_start_1:
0x0: {  	(tag) =	ssettag $0x1  }
0x1: {  	s5 =	rddreg [dreg:$0x0]  }
0x2: {  	s6 =	rddreg [dreg:$0x1]  }
0x3: {  	s3 =	rddreg [dreg:$0x2]  }
0x4: {  	s1 =	rddreg [dreg:$0x3]  }
0x5: {  	s0 =	rddreg [dreg:$0x4];
	s2 =	simm.s32 $0x0  }
0x6: {  	s4 =	srdreg.scid;
	s12 =	stileid.u32;
	s18 =	simm.s32 $0x1  }
0x7: {  	s19 =	simm.s32 $0x2;
	[smem:$0x7FF] =	sst s2;
	s7 =	smul.u32 $0x4E000, s12  }
0x8: {  	s10 =	sadd.s32 $0x2400, s3;
	s9 =	sand.u32 $0x1, s4;
	s22 =	smul.u32 $0x2700, s12  }
0x9: {  	s21 =	sshll.u32 s12, $0x1;
	s14 =	sshll.u32 s12, $0x6;
	s16 =	smul.u32 $0x140000, s12  }
0xa: {  	s26 =	smul.u32 $0x28000, s12;
	p0 =	sne.s32 s12, $0x0;
	_ =	strace $0x80000047  }
0xb: {  	s20 =	ssub.s32 $0x2, s9;
	s11 =	sor.u32 s9, s21;
	s17 =	smul.u32 $0xA0000, s9  }
0xc: {  	s4 =	sor.u32 $0x1C03, s14;
	s14 =	sadd.s32 $0x138000, s1;
	s28 =	smul.u32 $0x14000, s9  }
0xd: {  	s21 =	simm.s32 $0x0;
	s8 =	sshrl.u32 s20, $0x1;
	s24 =	smul.u32 $0x280, s11  }
0xe: {  	s23 =	sshrl.u32 s7, $0x2;
	s15 =	smul.u32 $0xA0000, s11;
	s3 =	sadd.s32 s5, s22  }
0xf: {  	s11 =	smul.u32 $0x14000, s11;
	s5 =	sadd.s32 $0x27000, s5;
	s14 =	sshrl.u32 @!p0 s14, $0x3  }
0x10: {  	s8 =	ssub.s32 s20, s8;
	s13 =	sadd.s32 s23, s1;
	s16 =	sadd.s32 s17, s16  }
0x11: {  	s17 =	simm.s32 $0x5400;
	s20 =	simm.s32 $0x1380;
	s6 =	sadd.s32 s6, s24  }
0x12: {  	s15 =	sshrl.u32 s15, $0x3;
	s7 =	smax.u32 s8, $0x1;
	s29 =	sadd.s32 s10, s11  }
0x13: {  	s30 =	sshrl.u32 s16, $0x3;
	s12 =	sshrl.u32 s13, $0x3;
	s13 =	simm.s32 $0x3  }
0x14: {  	s16 =	simm.s32 $0x80;
	s25 =	sadd.s32 s10, s15;
	s15 =	sadd.s32 s26, s10  }
0x15: {  	s9 =	sadd.s32 $0x13800, s29;
	s10 =	sadd.s32 s30, s10;
	s31 =	sadd.s32 s28, s15  }
0x16: {  	s8 =	sadd.s32 $0x13000, s25;
	s15 =	simm.s32 $0x1400;
	s11 =	sadd.s32 $0x800, s31  }
.LBB2_1:
0x17: {  	[spmem:s12], [sflag:s4] =	dma.local [hbm:s3], $0x2700  }
0x18: {  	_ =	swait.ge [sflag:s13], $0x2700  }
0x19: {  	[sflag:s13] =	ssyncset.done $0x0  }
0x1a: {  	s22 =	simm.s32 @!p0 $0x3;
	[sflag:s13] =	ssyncadd.s32 $0xFFFFD900  }
0x1b: {  	[spmem:s14], [sflag:s4] =	dma.local @!p0 [hbm:s5], $0x100  }
0x1c: {  	_ =	swait.ge @!p0 [sflag:s22], $0x100  }
0x1d: {  	[sflag:s22] =	ssyncset.done @!p0 $0x0  }
0x1e: {  	[sflag:s22] =	ssyncadd.s32 @!p0 $0xFFFFFF00  }
0x1f: {  	[tilespmem:s2], [sflag:$0x3] =	stream.linear.gather [hbm4b:s6+s2], $0x1400, $0x38;
	[tilespmem:$0x1CC80] =	vst v63  }
0x20: {  	_ =	swait.ge [sflag:s13], $0x1400  }
0x21: {  	[sflag:s13] =	ssyncset.done $0x0  }
0x22: {  	[sflag:s13] =	ssyncadd.s32 $0xFFFFEC00  }
0x23: {  	[bflag:$0x0] =	sbarrier.arrive $0xFFFF  }
0x24: {  	[tilespmem:s15], [sflag:$0x1] =	stream.indirect.gather [spmem:s1], $0x80, s2, s16, $0xb8;
	[tilespmem:$0x1CC80] =	vst v63  }
0x25: {  	_ = 	snop  }
0x26: {  	[tilespmem:s17], [sflag:$0x2] =	stream.indirect.gather [spmem:s1], $0x80, s16, s16, $0xb8;
	[tilespmem:$0x1CC80] =	vst v63  }
0x27: {  	_ =	swait.ge [sflag:s18], $0x4000  }
0x28: {  	[sflag:s18] =	ssyncset.done $0x0  }
0x29: {  	s29 =	sadd.s32 $0x0, s10;
	[sflag:s18] =	ssyncadd.s32 $0xFFFFC000  }
0x2a: {  	[hbm4b:s29+s2] =	stream.linear.scatter [tilespmem:s15], [sflag:$0x3], $0x4000, $0x38;
	[tilespmem:$0x1CC80] =	vst v63  }
0x2b: {  	_ =	swait.ge [sflag:s13], $0x4000  }
0x2c: {  	[sflag:s13] =	ssyncset.done $0x0  }
0x2d: {  	s30 =	simm.s32 $0x100;
	[sflag:s13] =	ssyncadd.s32 $0xFFFFC000  }
0x2e: {  	[tilespmem:s15], [sflag:$0x1] =	stream.indirect.gather [spmem:s1], $0x80, s30, s16, $0xb8;
	[tilespmem:$0x1CC80] =	vst v63  }
0x2f: {  	_ =	swait.ge [sflag:s19], $0x4000  }
0x30: {  	[sflag:s19] =	ssyncset.done $0x0  }
0x31: {  	s31 =	sadd.s32 $0x0, s11;
	[sflag:s19] =	ssyncadd.s32 $0xFFFFC000  }
0x32: {  	[hbm4b:s31+s2] =	stream.linear.scatter [tilespmem:s17], [sflag:$0x3], $0x4000, $0x38;
	[tilespmem:$0x1CC80] =	vst v63  }
0x33: {  	_ =	swait.ge [sflag:s13], $0x4000  }
0x34: {  	s23 =	simm.s32 $0x80;
	s22 =	simm.s32 $0x1000;
	[sflag:s13] =	ssyncset.done $0x0  }
.LBB2_2:
0x35: {  	p1 =	sne.s32 s22, $0x12000;
	[sflag:s13] =	ssyncadd.s32 $0xFFFFC000;
	s23 =	sadd.s32 $0x100, s23  }
0x36: {  	[tilespmem:s17], [sflag:$0x2] =	stream.indirect.gather [spmem:s1], $0x80, s23, s16, $0xb8;
	[tilespmem:$0x1CC80] =	vst v63  }
0x37: {  	s24 =	smov.u32 s22;
	s22 =	sadd.s32 $0x1000, s22;
	_ =	swait.ge [sflag:s18], $0x4000  }
0x38: {  	[sflag:s18] =	ssyncset.done $0x0  }
0x39: {  	s25 =	sadd.s32 s24, s10;
	[sflag:s18] =	ssyncadd.s32 $0xFFFFC000  }
0x3a: {  	[hbm4b:s25+s2] =	stream.linear.scatter [tilespmem:s15], [sflag:$0x3], $0x4000, $0x38;
	[tilespmem:$0x1CC80] =	vst v63  }
0x3b: {  	_ =	swait.ge [sflag:s13], $0x4000  }
0x3c: {  	[sflag:s13] =	ssyncset.done $0x0  }
0x3d: {  	s25 =	sadd.s32 $0x80, s23;
	[sflag:s13] =	ssyncadd.s32 $0xFFFFC000  }
0x3e: {  	[tilespmem:s15], [sflag:$0x1] =	stream.indirect.gather [spmem:s1], $0x80, s25, s16, $0xb8;
	[tilespmem:$0x1CC80] =	vst v63  }
0x3f: {  	_ =	swait.ge [sflag:s19], $0x4000  }
.Ltmp0:
0x40: {  	[sflag:s19] =	ssyncset.done $0x0;
	(pc) =	sbr.rel @p1 .LBB2_2-.Ltmp0, $4  }
0x41: {  	s24 =	sadd.s32 s24, s11;
	[sflag:s19] =	ssyncadd.s32 $0xFFFFC000  }
0x42: {  	[hbm4b:s24+s2] =	stream.linear.scatter [tilespmem:s17], [sflag:$0x3], $0x4000, $0x38;
	[tilespmem:$0x1CC80] =	vst v63  }
0x43: {  	_ =	swait.ge [sflag:s13], $0x4000  }
0x44: {  	[sflag:s13] =	ssyncset.done $0x0  }
0x45: {  	[sflag:s13] =	ssyncadd.s32 $0xFFFFC000  }
0x46: {  	[tilespmem:s17], [sflag:$0x2] =	stream.indirect.gather [spmem:s1], $0x80, s20, s16, $0xb8;
	[tilespmem:$0x1CC80] =	vst v63  }
0x47: {  	_ =	swait.ge [sflag:s18], $0x4000  }
0x48: {  	[sflag:s18] =	ssyncset.done $0x0  }
0x49: {  	[sflag:s18] =	ssyncadd.s32 $0xFFFFC000  }
0x4a: {  	[hbm4b:s8+s2] =	stream.linear.scatter [tilespmem:s15], [sflag:$0x3], $0x4000, $0x38;
	[tilespmem:$0x1CC80] =	vst v63  }
0x4b: {  	_ =	swait.ge [sflag:s13], $0x4000  }
0x4c: {  	[sflag:s13] =	ssyncset.done $0x0  }
0x4d: {  	[sflag:s13] =	ssyncadd.s32 $0xFFFFC000  }
0x4e: {  	s21 =	sadd.s32 $0x1, s21;
	_ =	swait.ge [sflag:s19], $0x4000  }
0x4f: {  	p1 =	sne.s32 s21, s7;
	[sflag:s19] =	ssyncset.done $0x0  }
.Ltmp1:
0x50: {  	[sflag:s19] =	ssyncadd.s32 $0xFFFFC000;
	(pc) =	sbr.rel @p1 .LBB2_1-.Ltmp1, $4  }
0x51: {  	[hbm4b:s9+s2] =	stream.linear.scatter [tilespmem:s17], [sflag:$0x3], $0x4000, $0x38;
	[tilespmem:$0x1CC80] =	vst v63  }
0x52: {  	_ =	swait.ge [sflag:s13], $0x4000  }
0x53: {  	[sflag:s13] =	ssyncset.done $0x0  }
0x54: {  	[sflag:s13] =	ssyncadd.s32 $0xFFFFC000  }
0x55: {  	_ =	sfence.sel $0x180000  }
0x56: {  	[bflag:$0x0] =	sbarrier.arrive $0xFFFF  }
0x57: {  	_ =	strace $0x90000047  }
0x58: {  	s0 =	sadd.s32 @!p0 $0x100000, s0;
	[bflag:$0x2] =	sbarrier.arrive $0xFFFF  }
0x59: {  	[sflag:s0] =	ssyncadd.tile.s32 @!p0 $0x1;
	_ =	shalt  }
.Lfunc_end2:
_tile_overlayer_lowered:
.L_overlay_start_2:
0x5a: {  	(tag) =	ssettag $0x2  }
0x5b: {  	s0 =	rddreg [dreg:$0x0];
	s2 =	stileid.u32  }
0x5c: {  	s1 =	rddreg [dreg:$0x1];
	p0 =	sne.s32 s2, $0x0  }
0x5d: {  	s3 =	rddreg [dreg:$0x2];
	[bflag:$0x3] =	sbarrier.arrive $0xFFFF;
	s2 =	simm.s32 @!p0 $0x1C03  }
0x5e: {  	[timem:s3], [sflag:s2] =	dma.local @!p0 [hbm:s0], s1  }
0x5f: {  	s0 =	simm.s32 @!p0 $0x3  }
0x60: {  	_ =	swait.ge @!p0 [sflag:s0], s1  }
0x61: {  	s1 =	ssub.s32 @!p0 $0x0, s1;
	[sflag:s0] =	ssyncset.done @!p0 $0x0  }
0x62: {  	[sflag:s0] =	ssyncadd.s32 @!p0 s1  }
0x63: {  	[bflag:$0x3] =	sbarrier.arrive $0xFFFF  }
0x64: {  	_ =	shalt  }

// kernel: kernel.9.cloned.1.call-start
scs
__scs_entry_jumppad:
0x0: {  	(pc) =	sbr.rel $0x88, $3  }
0x1: {  	(tag) =	ssettag $0x0;
	lr =	simm.s32 $0x1  }
0x2: {  	[smem:$0x3F94] =	sst lr;
	_ =	strace $0xD0000000  }
0x3: {  	_ = 	snop  }
0x4: {  	_ = 	snop  }
0x5: {  	_ = 	snop  }
0x6: {  	_ = 	snop  }
0x7: {  	_ = 	snop  }
__scs_overlays_trampoline_lowered:
0x8: {  	[smem:$0x3FA3] =	sst s0  }
0x9: {  	[smem:$0x3FA4] =	sst s1  }
0xa: {  	[smem:$0x3FA5] =	sst s2  }
0xb: {  	[smem:$0x3FA6] =	sst s3  }
0xc: {  	[smem:$0x3FA7] =	sst s4  }
0xd: {  	[smem:$0x3FA8] =	sst s5  }
0xe: {  	[smem:$0x3FA9] =	sst s6  }
0xf: {  	[smem:$0x3FAA] =	sst s7  }
0x10: {  	[smem:$0x3FAB] =	sst s8  }
0x11: {  	[smem:$0x3FAC] =	sst s9;
	s0 =	simm.s32 @!p0 $0x0  }
0x12: {  	s1 =	sld [smem:$0x3F92];
	s0 =	simm.s32 @p0 $0x1  }
0x13: {  	[smem:$0x3FAD] =	sst s0;
	s0 =	simm.s32 @!p1 $0x0  }
0x14: {  	s2 =	sld [smem:$0x3F91];
	s0 =	simm.s32 @p1 $0x1  }
0x15: {  	[smem:$0x3FAE] =	sst s0;
	s0 =	simm.s32 @!p2 $0x0  }
0x16: {  	s3 =	sld [smem:$0x3FDB];
	s0 =	simm.s32 @p2 $0x1  }
0x17: {  	s4 =	simm.s32 $0x1BF5;
	[smem:$0x3FB0] =	sst s0  }
0x18: {  	s0 =	sld [smem:$0x3F93];
	_ =	swait.ge [sflag:s4], $0x0  }
0x19: {  	s7 =	sld [smem:$0x3F94]  }
0x1a: {  	s8 =	sadd.s32 $0xFFFFE003, lr  }
0x1b: {  	s9 =	sadd.s32 $0xFFFFFEF7, lr;
	s5 =	simm.s32 $0xFFFFFFFF;
	p2 =	slt.u32 s8, $0xFFFFF086  }
0x1c: {  	p1 =	slt.u32 s9, $0xF7A;
	s5 =	simm.s32 @!p2 $0x0  }
0x1d: {  	s5 =	simm.s32 @p1 $0x1;
	p0 =	seq.s32 s7, s2  }
0x1e: {  	s7 =	smul.u32 @!p0 $0xF7A, s2;
	p2 =	seq.s32 @!p0 s5, $0x0  }
0x1f: {  	s9 =	smul.u32 $0xF7A, s1;
	s8 =	simm.s32 @!p0 $0x1BF5;
	p2 =	por !p2, p0  }
0x20: {  	[sflag:s8] =	ssyncset.s32 @!p0 $0xFFFFF086;
	s6 =	sadd.s32 @!p0 s3, s7;
	s7 =	simm.s32 @!p0 $0x108  }
0x21: {  	s3 =	sadd.s32 s3, s9;
	s6 =	sadd.s32 @!p0 $0x88, s6;
	s7 =	simm.s32 @p2 $0x1082  }
0x22: {  	[simem:s7], [sflag:s8] =	dma.local @!p0 [hbm:s6], $0xF7A  }
0x23: {  	s9 =	sor.u32 $0xD0000000, s2;
	s6 =	simm.s32 $0x108;
	_ =	swait.ge @!p0 [sflag:s8], $0x0  }
0x24: {  	s3 =	sadd.s32 $0x88, s3;
	s6 =	simm.s32 @!p1 $0x1082;
	[sflag:s4] =	ssyncset.s32 $0xFFFFF086  }
0x25: {  	[simem:s6], [sflag:s4] =	dma.local [hbm:s3], $0xF7A  }
0x26: {  	[smem:$0x3F94] =	sst s1;
	(tag) =	ssettag s2;
	_ =	strace s9  }
0x27: {  	s1 =	sld [smem:$0x3FA4]  }
0x28: {  	s2 =	sld [smem:$0x3FA5]  }
0x29: {  	s4 =	sld [smem:$0x3FA7]  }
0x2a: {  	p0 =	seq.s32 s5, $0x0;
	s5 =	sld [smem:$0x3FA8]  }
0x2b: {  	s6 =	sld [smem:$0x3FA9]  }
0x2c: {  	s7 =	sld [smem:$0x3FAA]  }
0x2d: {  	s3 =	simm.s32 $0x108;
	s8 =	sld [smem:$0x3FAB]  }
0x2e: {  	s3 =	simm.s32 @!p0 $0x1082;
	s9 =	sld [smem:$0x3FAC]  }
0x2f: {  	lr =	sadd.s32 s0, s3;
	s0 =	sld [smem:$0x3FA3]  }
0x30: {  	s3 =	sld [smem:$0x3FA6]  }
0x31: {  	[smem:$0x3FAF] =	sst s10  }
0x32: {  	s10 =	sld [smem:$0x3FAD];
	_ =	sdelay $0x3  }
0x33: {  	p0 =	seq.s32 s10, $0x1;
	s10 =	sld [smem:$0x3FAF];
	_ =	sdelay $0x3  }
0x34: {  	[smem:$0x3FAF] =	sst s10  }
0x35: {  	s10 =	sld [smem:$0x3FAE];
	_ =	sdelay $0x3  }
0x36: {  	p1 =	seq.s32 s10, $0x1;
	s10 =	sld [smem:$0x3FAF];
	_ =	sdelay $0x3  }
0x37: {  	[smem:$0x3FAF] =	sst s10  }
0x38: {  	s10 =	sld [smem:$0x3FB0]  }
0x39: {  	_ = 	snop;
	(pc) =	sbr.ind lr, $3  }
0x3a: {  	_ = 	snop  }
0x3b: {  	_ = 	snop  }
0x3c: {  	p2 =	seq.s32 s10, $0x1;
	s10 =	sld [smem:$0x3FAF]  }
0x3d: {  	_ =	shalt  }
0x3e: {  	_ =	shalt  }
0x3f: {  	_ =	shalt  }
0x40: {  	_ =	shalt  }
0x41: {  	_ =	shalt  }
0x42: {  	_ =	shalt  }
0x43: {  	_ =	shalt  }
0x44: {  	_ =	shalt  }
0x45: {  	_ =	shalt  }
0x46: {  	_ =	shalt  }
0x47: {  	_ =	shalt  }
0x48: {  	_ =	shalt  }
0x49: {  	_ =	shalt  }
0x4a: {  	_ =	shalt  }
0x4b: {  	_ =	shalt  }
0x4c: {  	_ =	shalt  }
0x4d: {  	_ =	shalt  }
0x4e: {  	_ =	shalt  }
0x4f: {  	_ =	shalt  }
0x50: {  	_ =	shalt  }
0x51: {  	_ =	shalt  }
0x52: {  	_ =	shalt  }
0x53: {  	_ =	shalt  }
0x54: {  	_ =	shalt  }
0x55: {  	_ =	shalt  }
0x56: {  	_ =	shalt  }
0x57: {  	_ =	shalt  }
0x58: {  	_ =	shalt  }
0x59: {  	_ =	shalt  }
0x5a: {  	_ =	shalt  }
0x5b: {  	_ =	shalt  }
0x5c: {  	_ =	shalt  }
0x5d: {  	_ =	shalt  }
0x5e: {  	_ =	shalt  }
0x5f: {  	_ =	shalt  }
0x60: {  	_ =	shalt  }
0x61: {  	_ =	shalt  }
0x62: {  	_ =	shalt  }
0x63: {  	_ =	shalt  }
0x64: {  	_ =	shalt  }
0x65: {  	_ =	shalt  }
0x66: {  	_ =	shalt  }
0x67: {  	_ =	shalt  }
0x68: {  	_ =	shalt  }
0x69: {  	_ =	shalt  }
0x6a: {  	_ =	shalt  }
0x6b: {  	_ =	shalt  }
0x6c: {  	_ =	shalt  }
0x6d: {  	_ =	shalt  }
0x6e: {  	_ =	shalt  }
0x6f: {  	_ =	shalt  }
0x70: {  	_ =	shalt  }
0x71: {  	_ =	shalt  }
0x72: {  	_ =	shalt  }
0x73: {  	_ =	shalt  }
0x74: {  	_ =	shalt  }
0x75: {  	_ =	shalt  }
0x76: {  	_ =	shalt  }
0x77: {  	_ =	shalt  }
0x78: {  	_ =	shalt  }
0x79: {  	_ =	shalt  }
0x7a: {  	_ =	shalt  }
0x7b: {  	_ =	shalt  }
0x7c: {  	_ =	shalt  }
0x7d: {  	_ =	shalt  }
0x7e: {  	_ =	shalt  }
0x7f: {  	_ =	shalt  }
0x80: {  	_ =	shalt  }
0x81: {  	_ =	shalt  }
0x82: {  	_ =	shalt  }
0x83: {  	_ =	shalt  }
0x84: {  	_ =	shalt  }
0x85: {  	_ =	shalt  }
0x86: {  	_ =	shalt  }
0x87: {  	_ =	shalt  }
.Lfunc_end0:
.L_simem_size_0:
called_computation.1_lowered:
.L_overlay_start_0:
0x88: {  	s2 =	sld [smem:$0x3FD9]  }
0x89: {  	s3 =	sld [smem:$0x3FFE];
	_ =	sdelay $0x1  }
0x8a: {  	s1 =	srdreg.scid  }
0x8b: {  	s0 =	sand.u32 $0x1, s1  }
0x8c: {  	s14 =	sshll.u32 s0, $0xA;
	s2 =	sadd.s32 s3, s2  }
0x8d: {  	s2 =	sadd.s32 s2, s14  }
0x8e: {  	[smem:$0x3FBB] =	sst s2  }
0x8f: {  	_ = 	snop  }
0x90: {  	s2 =	sld [smem:$0x3FD0];
	_ =	sdelay $0x2  }
0x91: {  	s15 =	simm.s32 $0xA;
	s4 =	simm.s32 $0x10  }
0x92: {  	[smem:s4], [sflag:s15] =	dma.local [hbm:s2], $0x1  }
0x93: {  	_ =	swait.eq [sflag:s15], $0x1  }
0x94: {  	[sflag:s15] =	ssyncset.done $0x0  }
0x95: {  	[sflag:s15] =	ssyncadd.s32 $0xFFFFFFFF  }
0x96: {  	s16 =	sld [smem:$0x11];
	(tm) =	ssettm $0x1  }
0x97: {  	s17 =	sld [smem:$0x3FFB];
	_ =	sdelay $0x3  }
0x98: {  	_ =	strace s17  }
0x99: {  	s3 =	sld [smem:$0x3FFC];
	_ =	sdelay $0x3  }
0x9a: {  	_ =	strace s3  }
0x9b: {  	s3 =	sld [smem:$0x3FFD];
	_ =	sdelay $0x3  }
0x9c: {  	_ =	strace s3  }
0x9d: {  	_ =	strace $0x8FFFFFFF  }
0x9e: {  	s18 =	sld [smem:$0x3FDB];
	_ =	sdelay $0x1  }
0x9f: {  	s19 =	simm.s32 $_scs_section_size  }
0xa0: {  	s5 =	simm.s32 $_size__tile_overlayer_lowered;
	s6 =	simm.s32 $_tile_overlayer_lowered  }
0xa1: {  	s22 =	simm.s32 $0x1BFF;
	s21 =	sshll.u32 s6, $0x1;
	s3 =	sadd.s32 s19, s18  }
0xa2: {  	s7 =	simm.s32 $0x0;
	s20 =	sshll.u32 s5, $0x1;
	s5 =	sadd.s32 s21, s3  }
0xa3: {  	[timem:s7], [sflag:s22] =	dma.local [hbm:s5], s20  }
0xa4: {  	_ =	swait.ge [sflag:s22], s20  }
0xa5: {  	s4 =	ssub.s32 $0x0, s20;
	[sflag:s22] =	ssyncset.done $0x0  }
0xa6: {  	[sflag:s22] =	ssyncadd.s32 s4;
	_ =	sdelay $0x1  }
0xa7: {  	s23 =	simm.s32 $0x1B8B  }
0xa8: {  	_ =	swait.ge [sflag:s23], $0x1  }
0xa9: {  	[sflag:s23] =	ssyncset.done $0x0  }
0xaa: {  	s25 =	simm.s32 $0x1B8E;
	s24 =	sld [smem:$0x3FFE];
	[sflag:s23] =	ssyncadd.s32 $0xFFFFFFFF  }
0xab: {  	s26 =	simm.s32 $execute0_lowered;
	[smem:$0x3FD2] =	sst s25  }
0xac: {  	s5 =	sshll.u32 s26, $0x1;
	_ =	strace $0x80000049;
	[dreg:$0x1] =	wrdreg $0xFFFFFFFF  }
0xad: {  	s28 =	simm.s32 $_size_execute0_lowered;
	s3 =	sadd.s32 s3, s5;
	[dreg:$0x0] =	wrdreg $0x0  }
0xae: {  	s5 =	sshll.u32 s28, $0x1;
	[dreg:$0x2] =	wrdreg s3  }
0xaf: {  	[dreg:$0x3] =	wrdreg s5  }
0xb0: {  	[dreg:$0x4] =	wrdreg $0xC0  }
0xb1: {  	_ =	task [dreg:s7], $0x5FFFF  }
0xb2: {  	[dreg:$0x1] =	wrdreg $0xFFFFFFFF  }
0xb3: {  	[dreg:$0x0] =	wrdreg $0x60  }
0xb4: {  	[dreg:$0x2] =	wrdreg s24  }
0xb5: {  	[dreg:$0x3] =	wrdreg s16  }
0xb6: {  	[dreg:$0x4] =	wrdreg $0xA8000  }
0xb7: {  	[dreg:$0x5] =	wrdreg $0x9  }
0xb8: {  	_ =	task.clear_ibuf [dreg:s7], $0x6FFFF;
	_ =	strace $0x90000049  }
0xb9: {  	s29 =	simm.s32 $0x9;
	_ =	strace $0x8000004B  }
0xba: {  	_ =	swait.ge [sflag:s29], $0x1  }
0xbb: {  	[sflag:s29] =	ssyncadd.s32 $0xFFFFFFFF  }
0xbc: {  	_ =	strace $0x9000004B  }
0xbd: {  	_ =	sfence  }
0xbe: {  	s30 =	sld [smem:$0x0];
	_ =	sdelay $0x2  }
0xbf: {  	s31 =	sshll.u32 s1, $0xD;
	s1 =	sshrl.u32 s1, $0x2  }
0xc0: {  	s3 =	sand.u32 $0x4000, s31;
	s1 =	sadd.s32 s1, s30  }
0xc1: {  	s0 =	sor.u32 s3, s0;
	s1 =	sshll.u32 s1, $0x11  }
0xc2: {  	s0 =	sor.u32 s1, s0  }
0xc3: {  	s0 =	sadd.s32 $0x8F2B, s0  }
0xc4: {  	[sflag:s0] =	ssyncadd.remote.s32 $0x1  }
0xc5: {  	_ =	sfence.sel $0xFFFF  }
0xc6: {  	[dreg:$0x0] =	wrdreg $0xFFFFFFFF;
	(pc) =	sbr.abs _section_cstart, $3  }
0xc7: {  	[dreg:$0x1] =	wrdreg $0xFFFFFFFF  }
0xc8: {  	_ =	task.clear_ibuf [dreg:s7], $0x2FFFF;
	_ =	strace $0x9FFFFFFF  }
0xc9: {  	(tm) =	ssettm $0x7FFFFFFF  }
tec
execute0_lowered:
.L_overlay_start_1:
0x0: {  	(tag) =	ssettag $0x1  }
0x1: {  	s0 =	rddreg [dreg:$0x0]  }
0x2: {  	s1 =	rddreg [dreg:$0x1]  }
0x3: {  	s2 =	rddreg [dreg:$0x2]  }
0x4: {  	s3 =	simm.s32 $0x0;
	s13 =	stileid.u32;
	s4 =	srdreg.scid  }
0x5: {  	s20 =	simm.s32 $0x3;
	s23 =	simm.s32 $0x2800;
	s24 =	simm.s32 $0x6800  }
0x6: {  	s28 =	simm.s32 $0x80;
	s29 =	simm.s32 $0x2;
	s30 =	simm.s32 $0x2700  }
0x7: {  	s31 =	simm.s32 $0x2780;
	[smem:$0x7FF] =	sst s3;
	s5 =	smul.u32 $0x500, s13  }
0x8: {  	s9 =	sand.u32 $0x1, s4;
	s4 =	smul.u32 $0x2780, s13;
	s11 =	sadd.s32 $0x287400, s0  }
0x9: {  	s8 =	smul.u32 $0x4F000, s13;
	s15 =	sadd.s32 $0x51400, s0;
	s26 =	sshll.u32 s13, $0x6  }
0xa: {  	_ =	strace $0x8000004A;
	s6 =	ssub.s32 $0x2, s9;
	p0 =	sne.s32 s9, $0x0  }
0xb: {  	s21 =	sor.u32 $0x1C03, s26;
	s26 =	simm.s32 $0x1;
	s7 =	sshrl.u32 s6, $0x1  }
0xc: {  	s5 =	sadd.s32 s5, s0;
	s12 =	sadd.s32 s4, s0;
	s14 =	sshrl.u32 s8, $0x2  }
0xd: {  	s8 =	sadd.s32 $0x787400, s0;
	s16 =	ssub.s32 s6, s7;
	s5 =	sadd.s32 $0x282400, s5  }
0xe: {  	s6 =	smul.u32 $0x28000, s13;
	s17 =	sadd.s32 s14, s2;
	s12 =	sadd.s32 $0x2400, s12  }
0xf: {  	s7 =	sadd.s32 s1, s4;
	s14 =	sadd.s32 $0x29C00, s0;
	[dreg:$0x5] =	wrdreg s12  }
0x10: {  	s12 =	sadd.s32 $0x507400, s0;
	[dreg:$0x6] =	wrdreg s14;
	s14 =	sadd.s32 $0xA07400, s0  }
.Ltmp0:
0x11: {  	s0 =	sadd.s32 $0x78C00, s0;
	s10 =	sadd.s32 s11, s6;
	(pc) =	sbr.rel .LBB2_1-.Ltmp0, $4  }
0x12: {  	s16 =	smax.u32 s16, $0x1;
	[dreg:$0x4] =	wrdreg s10;
	s10 =	sadd.s32 $0x27000, s6  }
0x13: {  	s22 =	sshrl.u32 s17, $0x3;
	[dreg:$0x7] =	wrdreg s0;
	s18 =	sadd.s32 s10, s11  }
0x14: {  	s0 =	simm.s32 $0x0;
	s25 =	sadd.s32 $0x800, s18;
	s18 =	sor.u32 $0x1000, s6  }
0x15: {  	[dreg:$0x8] =	wrdreg s25;
	s19 =	sadd.s32 s11, s18;
	s25 =	sadd.s32 s4, s15  }
.LBB2_11:
0x16: {  	s13 =	sadd.s32 $0xFFFFF800, s9;
	[sflag:s20] =	ssyncadd.s32 $0xFFFFC000  }
0x17: {  	[tilespmem:s24], [sflag:$0x2] =	stream.linear.gather [hbm4b:s13+s3], $0x4000, $0x38;
	[tilespmem:$0x1E400] =	vst v63  }
0x18: {  	_ =	swait.ge [sflag:s26], $0x4000  }
0x19: {  	[sflag:s26] =	ssyncset.done $0x0  }
0x1a: {  	s11 =	sshra.s32 s11, $0x2;
	[sflag:s26] =	ssyncadd.s32 $0xFFFFC000  }
0x1b: {  	[spmem:s2] =	stream.indirect.scatter.add.f32 [tilespmem:s23], [sflag:$0x3], $0x80, s11, s28, $0xb8;
	[tilespmem:$0x1E400] =	vst v63  }
0x1c: {  	_ =	swait.ge [sflag:s20], $0x4000  }
0x1d: {  	[sflag:s20] =	ssyncset.done $0x0  }
0x1e: {  	[sflag:s20] =	ssyncadd.s32 $0xFFFFC000  }
0x1f: {  	[tilespmem:s23], [sflag:$0x1] =	stream.linear.gather [hbm4b:s9+s3], $0x4000, $0x38;
	[tilespmem:$0x1E400] =	vst v63  }
0x20: {  	_ =	swait.ge [sflag:s29], $0x4000  }
0x21: {  	[sflag:s29] =	ssyncset.done $0x0  }
0x22: {  	s17 =	sadd.s32 $0x80, s11;
	[sflag:s29] =	ssyncadd.s32 $0xFFFFC000  }
0x23: {  	[spmem:s2] =	stream.indirect.scatter.add.f32 [tilespmem:s24], [sflag:$0x3], $0x80, s17, s28, $0xb8;
	[tilespmem:$0x1E400] =	vst v63  }
0x24: {  	_ =	swait.ge [sflag:s20], $0x4000  }
0x25: {  	[sflag:s20] =	ssyncset.done $0x0  }
0x26: {  	s9 =	rddreg [dreg:$0x7];
	[sflag:s20] =	ssyncadd.s32 $0xFFFFC000  }
.LBB2_12:
0x27: {  	s1 =	sadd.s32 s10, s1  }
0x28: {  	[tilespmem:s24], [sflag:$0x2] =	stream.linear.gather [hbm4b:s1+s3], $0x4000, $0x38;
	[tilespmem:$0x1E400] =	vst v63  }
0x29: {  	_ =	swait.ge [sflag:s26], $0x4000  }
0x2a: {  	[sflag:s26] =	ssyncset.done $0x0  }
0x2b: {  	[sflag:s26] =	ssyncadd.s32 $0xFFFFC000  }
0x2c: {  	[spmem:s2] =	stream.indirect.scatter.add.f32 [tilespmem:s23], [sflag:$0x3], $0x80, s30, s28, $0xb8;
	[tilespmem:$0x1E400] =	vst v63  }
0x2d: {  	_ =	swait.ge [sflag:s20], $0x4000  }
0x2e: {  	[sflag:s20] =	ssyncset.done $0x0  }
0x2f: {  	[sflag:s20] =	ssyncadd.s32 $0xFFFFC000  }
0x30: {  	_ =	swait.ge [sflag:s29], $0x4000  }
0x31: {  	[sflag:s29] =	ssyncset.done $0x0  }
0x32: {  	[sflag:s29] =	ssyncadd.s32 $0xFFFFC000  }
0x33: {  	[spmem:s2] =	stream.indirect.scatter.add.f32 [tilespmem:s24], [sflag:$0x3], $0x80, s31, s28, $0xb8;
	[tilespmem:$0x1E400] =	vst v63  }
0x34: {  	_ =	swait.ge [sflag:s20], $0x4000  }
0x35: {  	[sflag:s20] =	ssyncset.done $0x0  }
0x36: {  	s0 =	sadd.s32 $0x1, s0;
	[sflag:s20] =	ssyncadd.s32 $0xFFFFC000  }
0x37: {  	s17 =	sadd.s32 s4, s9;
	p1 =	sne.s32 s0, s16;
	[bflag:$0x0] =	sbarrier.arrive $0xFFFF  }
0x38: {  	[hbm:s17], [sflag:s21] =	dma.local [spmem:s22], $0x2780  }
.Ltmp1:
0x39: {  	_ =	swait.ge [sflag:s20], $0x2780;
	(pc) =	sbr.rel @!p1 .LBB2_13-.Ltmp1, $3  }
0x3a: {  	[sflag:s20] =	ssyncset.done $0x0  }
0x3b: {  	[sflag:s20] =	ssyncadd.s32 $0xFFFFD880  }
0x3c: {  	[bflag:$0x0] =	sbarrier.arrive $0xFFFF;
	_ =	sdelay $0x1  }
.LBB2_1:
0x3d: {  	[tilespmem:s3], [sflag:$0x3] =	stream.linear.gather [hbm4b:s5+s3], $0x2800, $0x38;
	[tilespmem:$0x1E400] =	vst v63  }
0x3e: {  	_ =	swait.ge [sflag:s20], $0x2800  }
0x3f: {  	[sflag:s20] =	ssyncset.done $0x0  }
0x40: {  	[sflag:s20] =	ssyncadd.s32 $0xFFFFD800  }
0x41: {  	[spmem:s22], [sflag:s21] =	dma.local [hbm:s7], $0x2780  }
.Ltmp2:
0x42: {  	_ =	swait.ge [sflag:s20], $0x2780;
	(pc) =	sbr.rel @p0 .LBB2_7-.Ltmp2, $3  }
0x43: {  	[sflag:s20] =	ssyncset.done $0x0  }
0x44: {  	[sflag:s20] =	ssyncadd.s32 $0xFFFFD880  }
0x45: {  	[bflag:$0x0] =	sbarrier.arrive $0xFFFF;
	_ =	sdelay $0x1  }
0x46: {  	s1 =	simm.s32 $0x0;
	s9 =	rddreg [dreg:$0x4]  }
0x47: {  	[tilespmem:s23], [sflag:$0x1] =	stream.linear.gather [hbm4b:s9+s1], $0x4000, $0x38;
	[tilespmem:$0x1E400] =	vst v63  }
0x48: {  	s13 =	sadd.s32 $0xFFFFF800, s19  }
0x49: {  	[tilespmem:s24], [sflag:$0x2] =	stream.linear.gather [hbm4b:s13+s3], $0x4000, $0x38;
	[tilespmem:$0x1E400] =	vst v63  }
0x4a: {  	_ =	swait.ge [sflag:s26], $0x4000  }
0x4b: {  	[sflag:s26] =	ssyncset.done $0x0  }
0x4c: {  	s15 =	simm.s32 $0x0;
	[sflag:s26] =	ssyncadd.s32 $0xFFFFC000  }
0x4d: {  	[spmem:s2] =	stream.indirect.scatter.add.f32 [tilespmem:s23], [sflag:$0x3], $0x80, s15, s28, $0xb8;
	[tilespmem:$0x1E400] =	vst v63  }
0x4e: {  	_ =	swait.ge [sflag:s20], $0x4000  }
0x4f: {  	[sflag:s20] =	ssyncset.done $0x0  }
0x50: {  	[sflag:s20] =	ssyncadd.s32 $0xFFFFC000  }
0x51: {  	[tilespmem:s23], [sflag:$0x1] =	stream.linear.gather [hbm4b:s19+s3], $0x4000, $0x38;
	[tilespmem:$0x1E400] =	vst v63  }
0x52: {  	_ =	swait.ge [sflag:s29], $0x4000  }
0x53: {  	[sflag:s29] =	ssyncset.done $0x0  }
0x54: {  	s17 =	simm.s32 $0x80;
	[sflag:s29] =	ssyncadd.s32 $0xFFFFC000  }
0x55: {  	[spmem:s2] =	stream.indirect.scatter.add.f32 [tilespmem:s24], [sflag:$0x3], $0x80, s17, s28, $0xb8;
	[tilespmem:$0x1E400] =	vst v63  }
0x56: {  	s11 =	simm.s32 $0x800;
	_ =	swait.ge [sflag:s20], $0x4000  }
0x57: {  	s9 =	simm.s32 $0x400;
	s1 =	sadd.s32 $0x1000, s19;
	[sflag:s20] =	ssyncset.done $0x0  }
.LBB2_3:
0x58: {  	p1 =	sne.s32 s11, $0x9800;
	s17 =	sadd.s32 $0xFFFFF800, s1;
	[sflag:s20] =	ssyncadd.s32 $0xFFFFC000  }
0x59: {  	[tilespmem:s24], [sflag:$0x2] =	stream.linear.gather [hbm4b:s17+s3], $0x4000, $0x38;
	[tilespmem:$0x1E400] =	vst v63  }
0x5a: {  	s17 =	smov.u32 s11;
	s11 =	sadd.s32 $0x400, s11;
	_ =	swait.ge [sflag:s26], $0x4000  }
0x5b: {  	[sflag:s26] =	ssyncset.done $0x0  }
0x5c: {  	s13 =	sshra.s32 s9, $0x2;
	s9 =	smov.u32 s17;
	[sflag:s26] =	ssyncadd.s32 $0xFFFFC000  }
0x5d: {  	[spmem:s2] =	stream.indirect.scatter.add.f32 [tilespmem:s23], [sflag:$0x3], $0x80, s13, s28, $0xb8;
	[tilespmem:$0x1E400] =	vst v63  }
0x5e: {  	_ =	swait.ge [sflag:s20], $0x4000  }
0x5f: {  	[sflag:s20] =	ssyncset.done $0x0  }
0x60: {  	[sflag:s20] =	ssyncadd.s32 $0xFFFFC000  }
0x61: {  	[tilespmem:s23], [sflag:$0x1] =	stream.linear.gather [hbm4b:s1+s3], $0x4000, $0x38;
	[tilespmem:$0x1E400] =	vst v63  }
0x62: {  	_ =	swait.ge [sflag:s29], $0x4000  }
.Ltmp3:
0x63: {  	[sflag:s29] =	ssyncset.done $0x0;
	(pc) =	sbr.rel @p1 .LBB2_3-.Ltmp3, $4  }
0x64: {  	s13 =	sadd.s32 $0x80, s13;
	[sflag:s29] =	ssyncadd.s32 $0xFFFFC000  }
0x65: {  	[spmem:s2] =	stream.indirect.scatter.add.f32 [tilespmem:s24], [sflag:$0x3], $0x80, s13, s28, $0xb8;
	[tilespmem:$0x1E400] =	vst v63  }
0x66: {  	_ =	swait.ge [sflag:s20], $0x4000  }
0x67: {  	s1 =	sadd.s32 $0x1000, s1;
	[sflag:s20] =	ssyncset.done $0x0  }
0x68: {  	s11 =	sadd.s32 $0xFFFFF800, s1;
	[sflag:s20] =	ssyncadd.s32 $0xFFFFC000  }
0x69: {  	[tilespmem:s24], [sflag:$0x2] =	stream.linear.gather [hbm4b:s11+s3], $0x4000, $0x38;
	[tilespmem:$0x1E400] =	vst v63  }
0x6a: {  	_ =	swait.ge [sflag:s26], $0x4000  }
0x6b: {  	[sflag:s26] =	ssyncset.done $0x0  }
0x6c: {  	s9 =	sshra.s32 s9, $0x2;
	[sflag:s26] =	ssyncadd.s32 $0xFFFFC000  }
0x6d: {  	[spmem:s2] =	stream.indirect.scatter.add.f32 [tilespmem:s23], [sflag:$0x3], $0x80, s9, s28, $0xb8;
	[tilespmem:$0x1E400] =	vst v63  }
0x6e: {  	_ =	swait.ge [sflag:s20], $0x4000  }
0x6f: {  	[sflag:s20] =	ssyncset.done $0x0  }
0x70: {  	[sflag:s20] =	ssyncadd.s32 $0xFFFFC000  }
0x71: {  	[tilespmem:s23], [sflag:$0x1] =	stream.linear.gather [hbm4b:s1+s3], $0x4000, $0x38;
	[tilespmem:$0x1E400] =	vst v63  }
0x72: {  	_ =	swait.ge [sflag:s29], $0x4000  }
0x73: {  	[sflag:s29] =	ssyncset.done $0x0  }
0x74: {  	s11 =	sadd.s32 $0x80, s9;
	[sflag:s29] =	ssyncadd.s32 $0xFFFFC000  }
0x75: {  	[spmem:s2] =	stream.indirect.scatter.add.f32 [tilespmem:s24], [sflag:$0x3], $0x80, s11, s28, $0xb8;
	[tilespmem:$0x1E400] =	vst v63  }
0x76: {  	_ =	swait.ge [sflag:s20], $0x4000  }
0x77: {  	[sflag:s20] =	ssyncset.done $0x0  }
0x78: {  	s13 =	simm.s32 $0x0;
	s15 =	rddreg [dreg:$0x8];
	[sflag:s20] =	ssyncadd.s32 $0xFFFFC000  }
0x79: {  	[tilespmem:s24], [sflag:$0x2] =	stream.linear.gather [hbm4b:s15+s13], $0x4000, $0x38;
	[tilespmem:$0x1E400] =	vst v63  }
0x7a: {  	_ =	swait.ge [sflag:s26], $0x4000  }
0x7b: {  	[sflag:s26] =	ssyncset.done $0x0  }
0x7c: {  	[sflag:s26] =	ssyncadd.s32 $0xFFFFC000  }
0x7d: {  	[spmem:s2] =	stream.indirect.scatter.add.f32 [tilespmem:s23], [sflag:$0x3], $0x80, s30, s28, $0xb8;
	[tilespmem:$0x1E400] =	vst v63  }
0x7e: {  	_ =	swait.ge [sflag:s20], $0x4000  }
0x7f: {  	[sflag:s20] =	ssyncset.done $0x0  }
0x80: {  	[sflag:s20] =	ssyncadd.s32 $0xFFFFC000  }
0x81: {  	_ =	swait.ge [sflag:s29], $0x4000  }
0x82: {  	[sflag:s29] =	ssyncset.done $0x0  }
0x83: {  	[sflag:s29] =	ssyncadd.s32 $0xFFFFC000  }
0x84: {  	[spmem:s2] =	stream.indirect.scatter.add.f32 [tilespmem:s24], [sflag:$0x3], $0x80, s31, s28, $0xb8;
	[tilespmem:$0x1E400] =	vst v63  }
0x85: {  	_ =	swait.ge [sflag:s20], $0x4000  }
0x86: {  	[sflag:s20] =	ssyncset.done $0x0  }
0x87: {  	[sflag:s20] =	ssyncadd.s32 $0xFFFFC000  }
0x88: {  	[bflag:$0x0] =	sbarrier.arrive $0xFFFF  }
0x89: {  	s17 =	rddreg [dreg:$0x5]  }
0x8a: {  	[hbm:s17], [sflag:s21] =	dma.local [spmem:s22], $0x2780  }
0x8b: {  	_ =	swait.ge [sflag:s20], $0x2780  }
0x8c: {  	[sflag:s20] =	ssyncset.done $0x0  }
0x8d: {  	[sflag:s20] =	ssyncadd.s32 $0xFFFFD880  }
0x8e: {  	[bflag:$0x0] =	sbarrier.arrive $0xFFFF  }
0x8f: {  	[spmem:s22], [sflag:s21] =	dma.local [hbm:s7], $0x2780  }
0x90: {  	_ =	swait.ge [sflag:s20], $0x2780  }
0x91: {  	[sflag:s20] =	ssyncset.done $0x0  }
0x92: {  	[sflag:s20] =	ssyncadd.s32 $0xFFFFD880  }
0x93: {  	s9 =	sadd.s32 s12, s18;
	s11 =	sadd.s32 s6, s12;
	[bflag:$0x0] =	sbarrier.arrive $0xFFFF  }
0x94: {  	[tilespmem:s23], [sflag:$0x1] =	stream.linear.gather [hbm4b:s11+s13], $0x4000, $0x38;
	[tilespmem:$0x1E400] =	vst v63  }
0x95: {  	s13 =	sadd.s32 $0xFFFFF800, s9  }
0x96: {  	[tilespmem:s24], [sflag:$0x2] =	stream.linear.gather [hbm4b:s13+s3], $0x4000, $0x38;
	[tilespmem:$0x1E400] =	vst v63  }
0x97: {  	_ =	swait.ge [sflag:s26], $0x4000  }
0x98: {  	[sflag:s26] =	ssyncset.done $0x0  }
0x99: {  	s15 =	simm.s32 $0x0;
	[sflag:s26] =	ssyncadd.s32 $0xFFFFC000  }
0x9a: {  	[spmem:s2] =	stream.indirect.scatter.add.f32 [tilespmem:s23], [sflag:$0x3], $0x80, s15, s28, $0xb8;
	[tilespmem:$0x1E400] =	vst v63  }
0x9b: {  	_ =	swait.ge [sflag:s20], $0x4000  }
0x9c: {  	[sflag:s20] =	ssyncset.done $0x0  }
0x9d: {  	[sflag:s20] =	ssyncadd.s32 $0xFFFFC000  }
0x9e: {  	[tilespmem:s23], [sflag:$0x1] =	stream.linear.gather [hbm4b:s9+s3], $0x4000, $0x38;
	[tilespmem:$0x1E400] =	vst v63  }
0x9f: {  	_ =	swait.ge [sflag:s29], $0x4000  }
0xa0: {  	[sflag:s29] =	ssyncset.done $0x0  }
0xa1: {  	s17 =	simm.s32 $0x80;
	[sflag:s29] =	ssyncadd.s32 $0xFFFFC000  }
0xa2: {  	[spmem:s2] =	stream.indirect.scatter.add.f32 [tilespmem:s24], [sflag:$0x3], $0x80, s17, s28, $0xb8;
	[tilespmem:$0x1E400] =	vst v63  }
0xa3: {  	s1 =	sadd.s32 $0x800, s12;
	s11 =	simm.s32 $0x400;
	_ =	swait.ge [sflag:s20], $0x4000  }
0xa4: {  	s9 =	sadd.s32 $0x1000, s9;
	s17 =	simm.s32 $0x800;
	[sflag:s20] =	ssyncset.done $0x0  }
.LBB2_5:
0xa5: {  	p1 =	seq.s32 s17, $0x9800;
	s13 =	sadd.s32 $0xFFFFF800, s9;
	[sflag:s20] =	ssyncadd.s32 $0xFFFFC000  }
0xa6: {  	[tilespmem:s24], [sflag:$0x2] =	stream.linear.gather [hbm4b:s13+s3], $0x4000, $0x38;
	[tilespmem:$0x1E400] =	vst v63  }
0xa7: {  	s13 =	smov.u32 s17;
	s17 =	sadd.s32 $0x400, s17;
	_ =	swait.ge [sflag:s26], $0x4000  }
0xa8: {  	[sflag:s26] =	ssyncset.done $0x0  }
0xa9: {  	s15 =	sshra.s32 s11, $0x2;
	s11 =	smov.u32 s13;
	[sflag:s26] =	ssyncadd.s32 $0xFFFFC000  }
0xaa: {  	[spmem:s2] =	stream.indirect.scatter.add.f32 [tilespmem:s23], [sflag:$0x3], $0x80, s15, s28, $0xb8;
	[tilespmem:$0x1E400] =	vst v63  }
0xab: {  	_ =	swait.ge [sflag:s20], $0x4000  }
0xac: {  	[sflag:s20] =	ssyncset.done $0x0  }
0xad: {  	[sflag:s20] =	ssyncadd.s32 $0xFFFFC000  }
0xae: {  	[tilespmem:s23], [sflag:$0x1] =	stream.linear.gather [hbm4b:s9+s3], $0x4000, $0x38;
	[tilespmem:$0x1E400] =	vst v63  }
0xaf: {  	_ =	swait.ge [sflag:s29], $0x4000  }
.Ltmp4:
0xb0: {  	[sflag:s29] =	ssyncset.done $0x0;
	(pc) =	sbr.rel @!p1 .LBB2_5-.Ltmp4, $4  }
0xb1: {  	s13 =	sadd.s32 $0x80, s15;
	[sflag:s29] =	ssyncadd.s32 $0xFFFFC000  }
0xb2: {  	[spmem:s2] =	stream.indirect.scatter.add.f32 [tilespmem:s24], [sflag:$0x3], $0x80, s13, s28, $0xb8;
	[tilespmem:$0x1E400] =	vst v63  }
0xb3: {  	_ =	swait.ge [sflag:s20], $0x4000  }
0xb4: {  	s9 =	sadd.s32 $0x1000, s9;
	[sflag:s20] =	ssyncset.done $0x0  }
0xb5: {  	s13 =	sadd.s32 $0xFFFFF800, s9;
	[sflag:s20] =	ssyncadd.s32 $0xFFFFC000  }
0xb6: {  	[tilespmem:s24], [sflag:$0x2] =	stream.linear.gather [hbm4b:s13+s3], $0x4000, $0x38;
	[tilespmem:$0x1E400] =	vst v63  }
0xb7: {  	_ =	swait.ge [sflag:s26], $0x4000  }
0xb8: {  	[sflag:s26] =	ssyncset.done $0x0  }
0xb9: {  	s11 =	sshra.s32 s11, $0x2;
	[sflag:s26] =	ssyncadd.s32 $0xFFFFC000  }
0xba: {  	[spmem:s2] =	stream.indirect.scatter.add.f32 [tilespmem:s23], [sflag:$0x3], $0x80, s11, s28, $0xb8;
	[tilespmem:$0x1E400] =	vst v63  }
0xbb: {  	_ =	swait.ge [sflag:s20], $0x4000  }
0xbc: {  	[sflag:s20] =	ssyncset.done $0x0  }
0xbd: {  	[sflag:s20] =	ssyncadd.s32 $0xFFFFC000  }
0xbe: {  	[tilespmem:s23], [sflag:$0x1] =	stream.linear.gather [hbm4b:s9+s3], $0x4000, $0x38;
	[tilespmem:$0x1E400] =	vst v63  }
0xbf: {  	_ =	swait.ge [sflag:s29], $0x4000  }
0xc0: {  	[sflag:s29] =	ssyncset.done $0x0  }
.Ltmp5:
0xc1: {  	s17 =	sadd.s32 $0x80, s11;
	[sflag:s29] =	ssyncadd.s32 $0xFFFFC000;
	(pc) =	sbr.rel .LBB2_12-.Ltmp5, $4  }
0xc2: {  	[spmem:s2] =	stream.indirect.scatter.add.f32 [tilespmem:s24], [sflag:$0x3], $0x80, s17, s28, $0xb8;
	[tilespmem:$0x1E400] =	vst v63  }
0xc3: {  	_ =	swait.ge [sflag:s20], $0x4000  }
0xc4: {  	[sflag:s20] =	ssyncset.done $0x0  }
0xc5: {  	s9 =	rddreg [dreg:$0x6];
	[sflag:s20] =	ssyncadd.s32 $0xFFFFC000  }
.LBB2_7:
0xc6: {  	s1 =	sadd.s32 s6, s8;
	s9 =	simm.s32 $0x0  }
0xc7: {  	[tilespmem:s23], [sflag:$0x1] =	stream.linear.gather [hbm4b:s1+s9], $0x4000, $0x38;
	[tilespmem:$0x1E400] =	vst v63  }
0xc8: {  	s9 =	sadd.s32 s8, s18  }
0xc9: {  	s13 =	sadd.s32 $0xFFFFF800, s9  }
0xca: {  	[tilespmem:s24], [sflag:$0x2] =	stream.linear.gather [hbm4b:s13+s3], $0x4000, $0x38;
	[tilespmem:$0x1E400] =	vst v63  }
0xcb: {  	_ =	swait.ge [sflag:s26], $0x4000  }
0xcc: {  	[sflag:s26] =	ssyncset.done $0x0  }
0xcd: {  	s15 =	simm.s32 $0x0;
	[sflag:s26] =	ssyncadd.s32 $0xFFFFC000  }
0xce: {  	[spmem:s2] =	stream.indirect.scatter.add.f32 [tilespmem:s23], [sflag:$0x3], $0x80, s15, s28, $0xb8;
	[tilespmem:$0x1E400] =	vst v63  }
0xcf: {  	_ =	swait.ge [sflag:s20], $0x4000  }
0xd0: {  	[sflag:s20] =	ssyncset.done $0x0  }
0xd1: {  	[sflag:s20] =	ssyncadd.s32 $0xFFFFC000  }
0xd2: {  	[tilespmem:s23], [sflag:$0x1] =	stream.linear.gather [hbm4b:s9+s3], $0x4000, $0x38;
	[tilespmem:$0x1E400] =	vst v63  }
0xd3: {  	_ =	swait.ge [sflag:s29], $0x4000  }
0xd4: {  	[sflag:s29] =	ssyncset.done $0x0  }
0xd5: {  	s17 =	simm.s32 $0x80;
	[sflag:s29] =	ssyncadd.s32 $0xFFFFC000  }
0xd6: {  	[spmem:s2] =	stream.indirect.scatter.add.f32 [tilespmem:s24], [sflag:$0x3], $0x80, s17, s28, $0xb8;
	[tilespmem:$0x1E400] =	vst v63  }
0xd7: {  	s11 =	simm.s32 $0x400;
	s1 =	sadd.s32 $0x800, s8;
	_ =	swait.ge [sflag:s20], $0x4000  }
0xd8: {  	s9 =	sadd.s32 $0x1000, s9;
	s17 =	simm.s32 $0x800;
	[sflag:s20] =	ssyncset.done $0x0  }
.LBB2_8:
0xd9: {  	p1 =	seq.s32 s17, $0x9800;
	s13 =	sadd.s32 $0xFFFFF800, s9;
	[sflag:s20] =	ssyncadd.s32 $0xFFFFC000  }
0xda: {  	[tilespmem:s24], [sflag:$0x2] =	stream.linear.gather [hbm4b:s13+s3], $0x4000, $0x38;
	[tilespmem:$0x1E400] =	vst v63  }
0xdb: {  	s13 =	smov.u32 s17;
	s17 =	sadd.s32 $0x400, s17;
	_ =	swait.ge [sflag:s26], $0x4000  }
0xdc: {  	[sflag:s26] =	ssyncset.done $0x0  }
0xdd: {  	s15 =	sshra.s32 s11, $0x2;
	s11 =	smov.u32 s13;
	[sflag:s26] =	ssyncadd.s32 $0xFFFFC000  }
0xde: {  	[spmem:s2] =	stream.indirect.scatter.add.f32 [tilespmem:s23], [sflag:$0x3], $0x80, s15, s28, $0xb8;
	[tilespmem:$0x1E400] =	vst v63  }
0xdf: {  	_ =	swait.ge [sflag:s20], $0x4000  }
0xe0: {  	[sflag:s20] =	ssyncset.done $0x0  }
0xe1: {  	[sflag:s20] =	ssyncadd.s32 $0xFFFFC000  }
0xe2: {  	[tilespmem:s23], [sflag:$0x1] =	stream.linear.gather [hbm4b:s9+s3], $0x4000, $0x38;
	[tilespmem:$0x1E400] =	vst v63  }
0xe3: {  	_ =	swait.ge [sflag:s29], $0x4000  }
.Ltmp6:
0xe4: {  	[sflag:s29] =	ssyncset.done $0x0;
	(pc) =	sbr.rel @!p1 .LBB2_8-.Ltmp6, $4  }
0xe5: {  	s13 =	sadd.s32 $0x80, s15;
	[sflag:s29] =	ssyncadd.s32 $0xFFFFC000  }
0xe6: {  	[spmem:s2] =	stream.indirect.scatter.add.f32 [tilespmem:s24], [sflag:$0x3], $0x80, s13, s28, $0xb8;
	[tilespmem:$0x1E400] =	vst v63  }
0xe7: {  	_ =	swait.ge [sflag:s20], $0x4000  }
0xe8: {  	s9 =	sadd.s32 $0x1000, s9;
	[sflag:s20] =	ssyncset.done $0x0  }
0xe9: {  	s13 =	sadd.s32 $0xFFFFF800, s9;
	[sflag:s20] =	ssyncadd.s32 $0xFFFFC000  }
0xea: {  	[tilespmem:s24], [sflag:$0x2] =	stream.linear.gather [hbm4b:s13+s3], $0x4000, $0x38;
	[tilespmem:$0x1E400] =	vst v63  }
0xeb: {  	_ =	swait.ge [sflag:s26], $0x4000  }
0xec: {  	[sflag:s26] =	ssyncset.done $0x0  }
0xed: {  	s11 =	sshra.s32 s11, $0x2;
	[sflag:s26] =	ssyncadd.s32 $0xFFFFC000  }
0xee: {  	[spmem:s2] =	stream.indirect.scatter.add.f32 [tilespmem:s23], [sflag:$0x3], $0x80, s11, s28, $0xb8;
	[tilespmem:$0x1E400] =	vst v63  }
0xef: {  	_ =	swait.ge [sflag:s20], $0x4000  }
0xf0: {  	[sflag:s20] =	ssyncset.done $0x0  }
0xf1: {  	[sflag:s20] =	ssyncadd.s32 $0xFFFFC000  }
0xf2: {  	[tilespmem:s23], [sflag:$0x1] =	stream.linear.gather [hbm4b:s9+s3], $0x4000, $0x38;
	[tilespmem:$0x1E400] =	vst v63  }
0xf3: {  	_ =	swait.ge [sflag:s29], $0x4000  }
0xf4: {  	[sflag:s29] =	ssyncset.done $0x0  }
0xf5: {  	s15 =	sadd.s32 $0x80, s11;
	[sflag:s29] =	ssyncadd.s32 $0xFFFFC000  }
0xf6: {  	[spmem:s2] =	stream.indirect.scatter.add.f32 [tilespmem:s24], [sflag:$0x3], $0x80, s15, s28, $0xb8;
	[tilespmem:$0x1E400] =	vst v63  }
0xf7: {  	_ =	swait.ge [sflag:s20], $0x4000  }
0xf8: {  	[sflag:s20] =	ssyncset.done $0x0  }
0xf9: {  	s1 =	sadd.s32 s10, s1;
	s17 =	simm.s32 $0x0;
	[sflag:s20] =	ssyncadd.s32 $0xFFFFC000  }
0xfa: {  	[tilespmem:s24], [sflag:$0x2] =	stream.linear.gather [hbm4b:s1+s17], $0x4000, $0x38;
	[tilespmem:$0x1E400] =	vst v63  }
0xfb: {  	_ =	swait.ge [sflag:s26], $0x4000  }
0xfc: {  	[sflag:s26] =	ssyncset.done $0x0  }
0xfd: {  	[sflag:s26] =	ssyncadd.s32 $0xFFFFC000  }
0xfe: {  	[spmem:s2] =	stream.indirect.scatter.add.f32 [tilespmem:s23], [sflag:$0x3], $0x80, s30, s28, $0xb8;
	[tilespmem:$0x1E400] =	vst v63  }
0xff: {  	_ =	swait.ge [sflag:s20], $0x4000  }
0x100: {  	[sflag:s20] =	ssyncset.done $0x0  }
0x101: {  	[sflag:s20] =	ssyncadd.s32 $0xFFFFC000  }
0x102: {  	_ =	swait.ge [sflag:s29], $0x4000  }
0x103: {  	[sflag:s29] =	ssyncset.done $0x0  }
0x104: {  	[sflag:s29] =	ssyncadd.s32 $0xFFFFC000  }
0x105: {  	[spmem:s2] =	stream.indirect.scatter.add.f32 [tilespmem:s24], [sflag:$0x3], $0x80, s31, s28, $0xb8;
	[tilespmem:$0x1E400] =	vst v63  }
0x106: {  	_ =	swait.ge [sflag:s20], $0x4000  }
0x107: {  	[sflag:s20] =	ssyncset.done $0x0  }
0x108: {  	[sflag:s20] =	ssyncadd.s32 $0xFFFFC000  }
0x109: {  	[bflag:$0x0] =	sbarrier.arrive $0xFFFF  }
0x10a: {  	[hbm:s25], [sflag:s21] =	dma.local [spmem:s22], $0x2780  }
0x10b: {  	_ =	swait.ge [sflag:s20], $0x2780  }
0x10c: {  	[sflag:s20] =	ssyncset.done $0x0  }
0x10d: {  	[sflag:s20] =	ssyncadd.s32 $0xFFFFD880  }
0x10e: {  	[bflag:$0x0] =	sbarrier.arrive $0xFFFF  }
0x10f: {  	[spmem:s22], [sflag:s21] =	dma.local [hbm:s7], $0x2780  }
0x110: {  	_ =	swait.ge [sflag:s20], $0x2780  }
0x111: {  	[sflag:s20] =	ssyncset.done $0x0  }
0x112: {  	[sflag:s20] =	ssyncadd.s32 $0xFFFFD880  }
0x113: {  	s11 =	sadd.s32 s6, s14;
	s9 =	sadd.s32 s14, s18;
	[bflag:$0x0] =	sbarrier.arrive $0xFFFF  }
0x114: {  	[tilespmem:s23], [sflag:$0x1] =	stream.linear.gather [hbm4b:s11+s17], $0x4000, $0x38;
	[tilespmem:$0x1E400] =	vst v63  }
0x115: {  	s13 =	sadd.s32 $0xFFFFF800, s9  }
0x116: {  	[tilespmem:s24], [sflag:$0x2] =	stream.linear.gather [hbm4b:s13+s3], $0x4000, $0x38;
	[tilespmem:$0x1E400] =	vst v63  }
0x117: {  	_ =	swait.ge [sflag:s26], $0x4000  }
0x118: {  	[sflag:s26] =	ssyncset.done $0x0  }
0x119: {  	s15 =	simm.s32 $0x0;
	[sflag:s26] =	ssyncadd.s32 $0xFFFFC000  }
0x11a: {  	[spmem:s2] =	stream.indirect.scatter.add.f32 [tilespmem:s23], [sflag:$0x3], $0x80, s15, s28, $0xb8;
	[tilespmem:$0x1E400] =	vst v63  }
0x11b: {  	_ =	swait.ge [sflag:s20], $0x4000  }
0x11c: {  	[sflag:s20] =	ssyncset.done $0x0  }
0x11d: {  	[sflag:s20] =	ssyncadd.s32 $0xFFFFC000  }
0x11e: {  	[tilespmem:s23], [sflag:$0x1] =	stream.linear.gather [hbm4b:s9+s3], $0x4000, $0x38;
	[tilespmem:$0x1E400] =	vst v63  }
0x11f: {  	_ =	swait.ge [sflag:s29], $0x4000  }
0x120: {  	[sflag:s29] =	ssyncset.done $0x0  }
0x121: {  	s17 =	simm.s32 $0x80;
	[sflag:s29] =	ssyncadd.s32 $0xFFFFC000  }
0x122: {  	[spmem:s2] =	stream.indirect.scatter.add.f32 [tilespmem:s24], [sflag:$0x3], $0x80, s17, s28, $0xb8;
	[tilespmem:$0x1E400] =	vst v63  }
0x123: {  	s1 =	sadd.s32 $0x800, s14;
	s11 =	simm.s32 $0x400;
	_ =	swait.ge [sflag:s20], $0x4000  }
0x124: {  	s9 =	sadd.s32 $0x1000, s9;
	s17 =	simm.s32 $0x800;
	[sflag:s20] =	ssyncset.done $0x0  }
.LBB2_10:
0x125: {  	p1 =	sne.s32 s17, $0x9800;
	s13 =	sadd.s32 $0xFFFFF800, s9;
	[sflag:s20] =	ssyncadd.s32 $0xFFFFC000  }
0x126: {  	[tilespmem:s24], [sflag:$0x2] =	stream.linear.gather [hbm4b:s13+s3], $0x4000, $0x38;
	[tilespmem:$0x1E400] =	vst v63  }
0x127: {  	s13 =	smov.u32 s17;
	s17 =	sadd.s32 $0x400, s17;
	_ =	swait.ge [sflag:s26], $0x4000  }
0x128: {  	[sflag:s26] =	ssyncset.done $0x0  }
0x129: {  	s15 =	sshra.s32 s11, $0x2;
	s11 =	smov.u32 s13;
	[sflag:s26] =	ssyncadd.s32 $0xFFFFC000  }
0x12a: {  	[spmem:s2] =	stream.indirect.scatter.add.f32 [tilespmem:s23], [sflag:$0x3], $0x80, s15, s28, $0xb8;
	[tilespmem:$0x1E400] =	vst v63  }
0x12b: {  	_ =	swait.ge [sflag:s20], $0x4000  }
0x12c: {  	[sflag:s20] =	ssyncset.done $0x0  }
0x12d: {  	[sflag:s20] =	ssyncadd.s32 $0xFFFFC000  }
0x12e: {  	[tilespmem:s23], [sflag:$0x1] =	stream.linear.gather [hbm4b:s9+s3], $0x4000, $0x38;
	[tilespmem:$0x1E400] =	vst v63  }
0x12f: {  	_ =	swait.ge [sflag:s29], $0x4000  }
.Ltmp7:
0x130: {  	[sflag:s29] =	ssyncset.done $0x0;
	(pc) =	sbr.rel @p1 .LBB2_10-.Ltmp7, $4  }
0x131: {  	s13 =	sadd.s32 $0x80, s15;
	[sflag:s29] =	ssyncadd.s32 $0xFFFFC000  }
0x132: {  	[spmem:s2] =	stream.indirect.scatter.add.f32 [tilespmem:s24], [sflag:$0x3], $0x80, s13, s28, $0xb8;
	[tilespmem:$0x1E400] =	vst v63  }
0x133: {  	_ =	swait.ge [sflag:s20], $0x4000  }
0x134: {  	s9 =	sadd.s32 $0x1000, s9;
	[sflag:s20] =	ssyncset.done $0x0  }
.Ltmp8:
0x135: {  	_ = 	snop;
	(pc) =	sbr.rel .LBB2_11-.Ltmp8, $1  }
0x136: {  	_ =	sdelay $0x3  }
.LBB2_13:
0x137: {  	_ =	sfence.sel $0x180000  }
0x138: {  	[bflag:$0x0] =	sbarrier.arrive $0xFFFF  }
0x139: {  	_ =	strace $0x9000004A  }
0x13a: {  	s0 =	stileid.u32;
	[bflag:$0x2] =	sbarrier.arrive $0xFFFF  }
0x13b: {  	p0 =	sne.s32 s0, $0x0;
	s0 =	rddreg [dreg:$0x3]  }
0x13c: {  	s0 =	sadd.s32 @!p0 $0x100000, s0  }
0x13d: {  	[sflag:s0] =	ssyncadd.tile.s32 @!p0 $0x1;
	_ =	shalt  }
.Lfunc_end2:
_tile_overlayer_lowered:
.L_overlay_start_2:
0x13e: {  	(tag) =	ssettag $0x2  }
0x13f: {  	s0 =	rddreg [dreg:$0x0];
	s2 =	stileid.u32  }
0x140: {  	s1 =	rddreg [dreg:$0x1];
	p0 =	sne.s32 s2, $0x0  }
0x141: {  	s3 =	rddreg [dreg:$0x2];
	[bflag:$0x3] =	sbarrier.arrive $0xFFFF;
	s2 =	simm.s32 @!p0 $0x1C03  }
0x142: {  	[timem:s3], [sflag:s2] =	dma.local @!p0 [hbm:s0], s1  }
0x143: {  	s0 =	simm.s32 @!p0 $0x3  }
0x144: {  	_ =	swait.ge @!p0 [sflag:s0], s1  }
0x145: {  	s1 =	ssub.s32 @!p0 $0x0, s1;
	[sflag:s0] =	ssyncset.done @!p0 $0x0  }
0x146: {  	[sflag:s0] =	ssyncadd.s32 @!p0 s1  }
0x147: {  	[bflag:$0x3] =	sbarrier.arrive $0xFFFF  }
0x148: {  	_ =	shalt  }

</sc_bundles>
